<compile_context>
chip_gen: v7x
topology: tpu7x:2x2x1
jax: 0.10.2.dev20260603
libtpu: 0.0.44.dev20260713+nightly
codegen_flags: <defaults>
</compile_context>

<pallas_src>
import math

import jax
import jax.numpy as jnp
from jax import lax
from jax.experimental import pallas as pl
from jax.experimental.pallas import tpu as pltpu

_N = 20000
_PRE = 1000
_NMS_T = 0.7
_IMG_H = 800.0
_IMG_W = 800.0
_CLIP = math.log(1000.0 / 16.0)
_SUB = 8
_LANE = _N // _SUB


def _stage1(cls_ref, del_ref, anc_ref, p_ref, box_ref):
    w = anc_ref[2] - anc_ref[0]
    h = anc_ref[3] - anc_ref[1]
    cx = anc_ref[0] + 0.5 * w
    cy = anc_ref[1] + 0.5 * h
    nb = cls_ref.shape[0]
    for b in range(nb):
        x0 = cls_ref[b, 0]
        x1 = cls_ref[b, 1]
        m = jnp.maximum(x0, x1)
        e0 = jnp.exp(x0 - m)
        e1 = jnp.exp(x1 - m)
        p_ref[b] = e1 / (e0 + e1)
        dx = del_ref[b, 0]
        dy = del_ref[b, 1]
        dw = jnp.minimum(del_ref[b, 2], _CLIP)
        dh = jnp.minimum(del_ref[b, 3], _CLIP)
        pcx = dx * w + cx
        pcy = dy * h + cy
        pw = jnp.exp(dw) * w
        ph = jnp.exp(dh) * h
        box_ref[b, 0] = jnp.clip(pcx - 0.5 * pw, 0.0, _IMG_W)
        box_ref[b, 1] = jnp.clip(pcy - 0.5 * ph, 0.0, _IMG_H)
        box_ref[b, 2] = jnp.clip(pcx + 0.5 * pw, 0.0, _IMG_W)
        box_ref[b, 3] = jnp.clip(pcy + 0.5 * ph, 0.0, _IMG_H)


def _nms(rows_ref, cols_ref, scol_ref, out_ref, iou_ref):
    x1r = rows_ref[0, 0:1, :]
    y1r = rows_ref[0, 1:2, :]
    x2r = rows_ref[0, 2:3, :]
    y2r = rows_ref[0, 3:4, :]
    x1c = cols_ref[0, :, 0:1]
    y1c = cols_ref[0, :, 1:2]
    x2c = cols_ref[0, :, 2:3]
    y2c = cols_ref[0, :, 3:4]
    ar = (x2r - x1r) * (y2r - y1r)
    ac = (x2c - x1c) * (y2c - y1c)
    wv = jnp.maximum(jnp.minimum(x2c, x2r) - jnp.maximum(x1c, x1r), 0.0)
    hv = jnp.maximum(jnp.minimum(y2c, y2r) - jnp.maximum(y1c, y1r), 0.0)
    inter = wv * hv
    iou_ref[:, :] = inter / (ac + ar - inter + 1e-9)

    iota = lax.broadcasted_iota(jnp.int32, (1, _PRE), 1)

    def body(i, sup):
        onehot = iota == i
        sup_i = jnp.sum(jnp.where(onehot, sup, 0.0))
        keep = jnp.where(sup_i < 0.5, 1.0, 0.0)
        row = iou_ref[pl.ds(i, 1), :]
        hit = jnp.where((row > _NMS_T) & (iota > i), keep, 0.0)
        return jnp.maximum(sup, hit)

    sup = lax.fori_loop(0, _PRE, body, jnp.zeros((1, _PRE), jnp.float32),
                        unroll=8)
    kept = jnp.where(sup < 0.5, 1.0, 0.0)

    ri = lax.broadcasted_iota(jnp.int32, (_PRE, _PRE), 0)
    ci = lax.broadcasted_iota(jnp.int32, (_PRE, _PRE), 1)
    tri = jnp.where(ri <= ci, 1.0, 0.0)
    rank = jnp.dot(kept, tri, preferred_element_type=jnp.float32) - 1.0

    rcol = lax.broadcasted_iota(jnp.int32, (_PRE, 1), 0).astype(jnp.float32)
    perm = jnp.where((rank == rcol) & (kept > 0.5), 1.0, 0.0)
    data = jnp.concatenate([x1c, y1c, x2c, y2c, scol_ref[0]], axis=1)
    out_ref[0] = jnp.dot(perm, data, preferred_element_type=jnp.float32)


def kernel(cls_scores, bbox_deltas, anchors):
    nb = cls_scores.shape[0]
    cls_t = jnp.transpose(cls_scores, (0, 2, 1)).reshape(nb, 2, _SUB, _LANE)
    del_t = jnp.transpose(bbox_deltas, (0, 2, 1)).reshape(nb, 4, _SUB, _LANE)
    anc_t = jnp.transpose(anchors, (1, 0)).reshape(4, _SUB, _LANE)

    p, boxes = pl.pallas_call(
        _stage1,
        out_shape=(
            jax.ShapeDtypeStruct((nb, _SUB, _LANE), jnp.float32),
            jax.ShapeDtypeStruct((nb, 4, _SUB, _LANE), jnp.float32),
        ),
    )(cls_t, del_t, anc_t)

    top_s, idx = lax.top_k(p.reshape(nb, _N), _PRE)
    bsel = jnp.take_along_axis(boxes.reshape(nb, 4, _N), idx[:, None, :], axis=2)
    cols = jnp.transpose(bsel, (0, 2, 1))
    s_col = top_s[:, :, None]

    out = pl.pallas_call(
        _nms,
        grid=(nb,),
        in_specs=[
            pl.BlockSpec((1, 4, _PRE), lambda b: (b, 0, 0)),
            pl.BlockSpec((1, _PRE, 4), lambda b: (b, 0, 0)),
            pl.BlockSpec((1, _PRE, 1), lambda b: (b, 0, 0)),
        ],
        out_specs=pl.BlockSpec((1, _PRE, 5), lambda b: (b, 0, 0)),
        out_shape=jax.ShapeDtypeStruct((nb, _PRE, 5), jnp.float32),
        scratch_shapes=[pltpu.VMEM((_PRE, _PRE), jnp.float32)],
    )(bsel, cols, s_col)
    return out

# --- scband reference (transcript-rebuilt; emitter-appended) ---
"""Pipeline reference for scband-background-aware-rpn-28484223108006 (READ-ONLY COPY).

The authoritative reference and input builder live on the scoring server;
editing this copy changes nothing except your own understanding.
"""

import jax, jax.numpy as jnp
import numpy as np
import math
from jax import lax

B = 2
N = 20000
PRE_N = 1000
POST_N = 1000
NMS_THRESH = 0.7
SCORE_THRESH = 0.0
MIN_SIZE = 0.0
IMG_H = 800.0
IMG_W = 800.0
BBOX_XFORM_CLIP = math.log(1000.0 / 16.0)


def setup_inputs(seed: int = 0) -> dict:
    key = jax.random.key(seed)
    k1, k2, k3, k4 = jax.random.split(key, 4)
    cls_scores = jax.random.normal(k1, (B, N, 2), jnp.float32)
    bbox_deltas = jax.random.normal(k2, (B, N, 4), jnp.float32) * 0.1
    xy = jax.random.uniform(k3, (N, 2), jnp.float32, 0.0, 700.0)
    wh = jax.random.uniform(k4, (N, 2), jnp.float32, 8.0, 128.0)
    anchors = jnp.concatenate([xy, xy + wh], axis=-1)
    return {"cls_scores": cls_scores, "bbox_deltas": bbox_deltas, "anchors": anchors}


def _decode(deltas, anchors):
    # BoxCoder.decode_single with weights (1,1,1,1)
    w = anchors[:, 2] - anchors[:, 0]
    h = anchors[:, 3] - anchors[:, 1]
    cx = anchors[:, 0] + 0.5 * w
    cy = anchors[:, 1] + 0.5 * h
    dx, dy, dw, dh = deltas[:, 0], deltas[:, 1], deltas[:, 2], deltas[:, 3]
    dw = jnp.minimum(dw, BBOX_XFORM_CLIP)
    dh = jnp.minimum(dh, BBOX_XFORM_CLIP)
    pcx = dx * w + cx
    pcy = dy * h + cy
    pw = jnp.exp(dw) * w
    ph = jnp.exp(dh) * h
    return jnp.stack([pcx - 0.5 * pw, pcy - 0.5 * ph, pcx + 0.5 * pw, pcy + 0.5 * ph], axis=-1)


def _box_iou(a, b):
    area_a = (a[:, 2] - a[:, 0]) * (a[:, 3] - a[:, 1])
    area_b = (b[:, 2] - b[:, 0]) * (b[:, 3] - b[:, 1])
    lt = jnp.maximum(a[:, None, :2], b[None, :, :2])
    rb = jnp.minimum(a[:, None, 2:], b[None, :, 2:])
    wh = jnp.clip(rb - lt, 0.0, None)
    inter = wh[..., 0] * wh[..., 1]
    return inter / (area_a[:, None] + area_b[None, :] - inter + 1e-9)


def _nms_keep(boxes, scores):
    # Greedy NMS on score-sorted boxes; returns float {0,1} keep mask.
    K = boxes.shape[0]
    iou = _box_iou(boxes, boxes)
    idxs = jnp.arange(K)

    def body(suppressed, i):
        keep_i = jnp.where(suppressed[i] < 0.5, 1.0, 0.0)
        keep_i = keep_i * jnp.where(jnp.isfinite(scores[i]), 1.0, 0.0)
        sup = keep_i * jnp.where((iou[i] > NMS_THRESH) & (idxs > i), 1.0, 0.0)
        suppressed = jnp.maximum(suppressed, sup)
        return suppressed, keep_i

    _, kept = lax.scan(body, jnp.zeros((K,), jnp.float32), idxs)
    return kept


def _per_image(cls_scores_i, deltas_i, anchors):
    # objectness = softmax over (bg, fg), take fg channel
    prob = jax.nn.softmax(cls_scores_i, axis=-1)[:, 1]
    boxes = _decode(deltas_i, anchors)
    # pre-NMS top-n
    top_s, idx = lax.top_k(prob, PRE_N)
    boxes = jnp.take(boxes, idx, axis=0)
    # clip_boxes_to_image
    x1 = jnp.clip(boxes[:, 0], 0.0, IMG_W)
    y1 = jnp.clip(boxes[:, 1], 0.0, IMG_H)
    x2 = jnp.clip(boxes[:, 2], 0.0, IMG_W)
    y2 = jnp.clip(boxes[:, 3], 0.0, IMG_H)
    boxes = jnp.stack([x1, y1, x2, y2], axis=-1)
    # remove_small_boxes + score_thresh (mask instead of dynamic filter)
    ws = x2 - x1
    hs = y2 - y1
    valid = (ws >= MIN_SIZE) & (hs >= MIN_SIZE) & (top_s >= SCORE_THRESH)
    s = jnp.where(valid, top_s, -jnp.inf)
    order = jnp.argsort(-s)
    boxes = jnp.take(boxes, order, axis=0)
    s = jnp.take(s, order, axis=0)
    # batched_nms (single level -> plain NMS); keep decisions are non-differentiable
    kept = _nms_keep(lax.stop_gradient(boxes), lax.stop_gradient(s))
    keep_scores = jnp.where((kept > 0.5) & jnp.isfinite(s), s, -jnp.inf)
    fs, fidx = lax.top_k(keep_scores, POST_N)
    fb = jnp.take(boxes, fidx, axis=0)
    ok = jnp.isfinite(fs)
    fs = jnp.where(ok, fs, 0.0)
    fb = fb * ok[:, None].astype(jnp.float32)
    return jnp.concatenate([fb, fs[:, None]], axis=-1)  # [POST_N, 5]


def reference(cls_scores, bbox_deltas, anchors):
    fn = lambda s, d: _per_image(s, d, anchors)
    return jax.vmap(fn)(cls_scores, bbox_deltas)  # [B, POST_N, 5]

if __name__ == "__main__":
    import jax
    _d = setup_inputs()
    print(jax.jit(kernel)(*tuple(_d.values())))

</pallas_src>

<mosaic_0001>
module attributes {stable_mosaic.version = 14 : i64} {
  func.func @_stage1(%arg0: memref<2x2x8x2500xf32, #tpu.memory_space<vmem>>, %arg1: memref<2x4x8x2500xf32, #tpu.memory_space<vmem>>, %arg2: memref<4x8x2500xf32, #tpu.memory_space<vmem>>, %arg3: memref<2x8x2500xf32, #tpu.memory_space<vmem>>, %arg4: memref<2x4x8x2500xf32, #tpu.memory_space<vmem>>) attributes {dimension_semantics = [], scalar_prefetch = 0 : i64, scratch_operands = 0 : i64, tpu.core_type = #tpu.core_type<tc>} {
    %get3A = arith.constant 2 : index
    %get3A_0 = arith.constant 0 : index
    %get3A_1 = arith.constant 0 : index
    %get3A_2 = vector.load %arg2[%get3A, %get3A_0, %get3A_1] : memref<4x8x2500xf32, #tpu.memory_space<vmem>>, vector<1x8x2500xf32>
    %get3A_3 = vector.shape_cast %get3A_2 : vector<1x8x2500xf32> to vector<8x2500xf32>
    %get3A_4 = arith.constant 0 : index
    %get3A_5 = arith.constant 0 : index
    %get3A_6 = arith.constant 0 : index
    %get3A_7 = vector.load %arg2[%get3A_4, %get3A_5, %get3A_6] : memref<4x8x2500xf32, #tpu.memory_space<vmem>>, vector<1x8x2500xf32>
    %get3A_8 = vector.shape_cast %get3A_7 : vector<1x8x2500xf32> to vector<8x2500xf32>
    %sub3A = arith.subf %get3A_3, %get3A_8 : vector<8x2500xf32>
    %get3A_9 = arith.constant 3 : index
    %get3A_10 = arith.constant 0 : index
    %get3A_11 = arith.constant 0 : index
    %get3A_12 = vector.load %arg2[%get3A_9, %get3A_10, %get3A_11] : memref<4x8x2500xf32, #tpu.memory_space<vmem>>, vector<1x8x2500xf32>
    %get3A_13 = vector.shape_cast %get3A_12 : vector<1x8x2500xf32> to vector<8x2500xf32>
    %get3A_14 = arith.constant 1 : index
    %get3A_15 = arith.constant 0 : index
    %get3A_16 = arith.constant 0 : index
    %get3A_17 = vector.load %arg2[%get3A_14, %get3A_15, %get3A_16] : memref<4x8x2500xf32, #tpu.memory_space<vmem>>, vector<1x8x2500xf32>
    %get3A_18 = vector.shape_cast %get3A_17 : vector<1x8x2500xf32> to vector<8x2500xf32>
    %sub3A_19 = arith.subf %get3A_13, %get3A_18 : vector<8x2500xf32>
    %get3A_20 = arith.constant 0 : index
    %get3A_21 = arith.constant 0 : index
    %get3A_22 = arith.constant 0 : index
    %get3A_23 = vector.load %arg2[%get3A_20, %get3A_21, %get3A_22] : memref<4x8x2500xf32, #tpu.memory_space<vmem>>, vector<1x8x2500xf32>
    %get3A_24 = vector.shape_cast %get3A_23 : vector<1x8x2500xf32> to vector<8x2500xf32>
    %mul3A = arith.constant 5.000000e-01 : f32
    %mul3A_25 = vector.broadcast %mul3A : f32 to vector<8x2500xf32>
    %mul3A_26 = arith.mulf %mul3A_25, %sub3A : vector<8x2500xf32>
    %add3A = arith.addf %get3A_24, %mul3A_26 : vector<8x2500xf32>
    %get3A_27 = arith.constant 1 : index
    %get3A_28 = arith.constant 0 : index
    %get3A_29 = arith.constant 0 : index
    %get3A_30 = vector.load %arg2[%get3A_27, %get3A_28, %get3A_29] : memref<4x8x2500xf32, #tpu.memory_space<vmem>>, vector<1x8x2500xf32>
    %get3A_31 = vector.shape_cast %get3A_30 : vector<1x8x2500xf32> to vector<8x2500xf32>
    %mul3A_32 = arith.constant 5.000000e-01 : f32
    %mul3A_33 = vector.broadcast %mul3A_32 : f32 to vector<8x2500xf32>
    %mul3A_34 = arith.mulf %mul3A_33, %sub3A_19 : vector<8x2500xf32>
    %add3A_35 = arith.addf %get3A_31, %mul3A_34 : vector<8x2500xf32>
    %get3A_36 = arith.constant 0 : index
    %get3A_37 = arith.constant 0 : index
    %get3A_38 = arith.constant 0 : index
    %get3A_39 = arith.constant 0 : index
    %get3A_40 = vector.load %arg0[%get3A_36, %get3A_37, %get3A_38, %get3A_39] : memref<2x2x8x2500xf32, #tpu.memory_space<vmem>>, vector<1x1x8x2500xf32>
    %get3A_41 = vector.shape_cast %get3A_40 : vector<1x1x8x2500xf32> to vector<8x2500xf32>
    %get3A_42 = arith.constant 0 : index
    %get3A_43 = arith.constant 1 : index
    %get3A_44 = arith.constant 0 : index
    %get3A_45 = arith.constant 0 : index
    %get3A_46 = vector.load %arg0[%get3A_42, %get3A_43, %get3A_44, %get3A_45] : memref<2x2x8x2500xf32, #tpu.memory_space<vmem>>, vector<1x1x8x2500xf32>
    %get3A_47 = vector.shape_cast %get3A_46 : vector<1x1x8x2500xf32> to vector<8x2500xf32>
    %max3A = arith.maximumf %get3A_41, %get3A_47 : vector<8x2500xf32>
    %sub3A_48 = arith.subf %get3A_41, %max3A : vector<8x2500xf32>
    %exp3A = math.exp %sub3A_48 : vector<8x2500xf32>
    %sub3A_49 = arith.subf %get3A_47, %max3A : vector<8x2500xf32>
    %exp3A_50 = math.exp %sub3A_49 : vector<8x2500xf32>
    %add3A_51 = arith.addf %exp3A, %exp3A_50 : vector<8x2500xf32>
    %div3A = arith.divf %exp3A_50, %add3A_51 : vector<8x2500xf32>
    %swap3A = arith.constant 0 : index
    %swap3A_52 = arith.constant 0 : index
    %swap3A_53 = arith.constant 0 : index
    %swap3A_54 = vector.load %arg3[%swap3A, %swap3A_52, %swap3A_53] : memref<2x8x2500xf32, #tpu.memory_space<vmem>>, vector<1x8x2500xf32>
    %swap3A_55 = vector.shape_cast %swap3A_54 : vector<1x8x2500xf32> to vector<8x2500xf32>
    %swap3A_56 = vector.shape_cast %div3A : vector<8x2500xf32> to vector<1x8x2500xf32>
    tpu.vector_store %arg3[%swap3A, %swap3A_52, %swap3A_53], %swap3A_56 {strides = array<i32>} : memref<2x8x2500xf32, #tpu.memory_space<vmem>>, vector<1x8x2500xf32>,
    %get3A_57 = arith.constant 0 : index
    %get3A_58 = arith.constant 0 : index
    %get3A_59 = arith.constant 0 : index
    %get3A_60 = arith.constant 0 : index
    %get3A_61 = vector.load %arg1[%get3A_57, %get3A_58, %get3A_59, %get3A_60] : memref<2x4x8x2500xf32, #tpu.memory_space<vmem>>, vector<1x1x8x2500xf32>
    %get3A_62 = vector.shape_cast %get3A_61 : vector<1x1x8x2500xf32> to vector<8x2500xf32>
    %get3A_63 = arith.constant 0 : index
    %get3A_64 = arith.constant 1 : index
    %get3A_65 = arith.constant 0 : index
    %get3A_66 = arith.constant 0 : index
    %get3A_67 = vector.load %arg1[%get3A_63, %get3A_64, %get3A_65, %get3A_66] : memref<2x4x8x2500xf32, #tpu.memory_space<vmem>>, vector<1x1x8x2500xf32>
    %get3A_68 = vector.shape_cast %get3A_67 : vector<1x1x8x2500xf32> to vector<8x2500xf32>
    %get3A_69 = arith.constant 0 : index
    %get3A_70 = arith.constant 2 : index
    %get3A_71 = arith.constant 0 : index
    %get3A_72 = arith.constant 0 : index
    %get3A_73 = vector.load %arg1[%get3A_69, %get3A_70, %get3A_71, %get3A_72] : memref<2x4x8x2500xf32, #tpu.memory_space<vmem>>, vector<1x1x8x2500xf32>
    %get3A_74 = vector.shape_cast %get3A_73 : vector<1x1x8x2500xf32> to vector<8x2500xf32>
    %min3A = arith.constant 4.13516665 : f32
    %min3A_75 = vector.broadcast %min3A : f32 to vector<8x2500xf32>
    %min3A_76 = arith.minimumf %get3A_74, %min3A_75 : vector<8x2500xf32>
    %get3A_77 = arith.constant 0 : index
    %get3A_78 = arith.constant 3 : index
    %get3A_79 = arith.constant 0 : index
    %get3A_80 = arith.constant 0 : index
    %get3A_81 = vector.load %arg1[%get3A_77, %get3A_78, %get3A_79, %get3A_80] : memref<2x4x8x2500xf32, #tpu.memory_space<vmem>>, vector<1x1x8x2500xf32>
    %get3A_82 = vector.shape_cast %get3A_81 : vector<1x1x8x2500xf32> to vector<8x2500xf32>
    %min3A_83 = arith.constant 4.13516665 : f32
    %min3A_84 = vector.broadcast %min3A_83 : f32 to vector<8x2500xf32>
    %min3A_85 = arith.minimumf %get3A_82, %min3A_84 : vector<8x2500xf32>
    %mul3A_86 = arith.mulf %get3A_62, %sub3A : vector<8x2500xf32>
    %add3A_87 = arith.addf %mul3A_86, %add3A : vector<8x2500xf32>
    %mul3A_88 = arith.mulf %get3A_68, %sub3A_19 : vector<8x2500xf32>
    %add3A_89 = arith.addf %mul3A_88, %add3A_35 : vector<8x2500xf32>
    %exp3A_90 = math.exp %min3A_76 : vector<8x2500xf32>
    %mul3A_91 = arith.mulf %exp3A_90, %sub3A : vector<8x2500xf32>
    %exp3A_92 = math.exp %min3A_85 : vector<8x2500xf32>
    %mul3A_93 = arith.mulf %exp3A_92, %sub3A_19 : vector<8x2500xf32>
    %mul3A_94 = arith.constant 5.000000e-01 : f32
    %mul3A_95 = vector.broadcast %mul3A_94 : f32 to vector<8x2500xf32>
    %mul3A_96 = arith.mulf %mul3A_95, %mul3A_91 : vector<8x2500xf32>
    %sub3A_97 = arith.subf %add3A_87, %mul3A_96 : vector<8x2500xf32>
    %jit3A = arith.constant 0.000000e+00 : f32
    %jit3A_98 = arith.constant 8.000000e+02 : f32
    %max3A_99 = vector.broadcast %jit3A : f32 to vector<8x2500xf32>
    %max3A_100 = arith.maximumf %max3A_99, %sub3A_97 : vector<8x2500xf32>
    %min3A_101 = vector.broadcast %jit3A_98 : f32 to vector<8x2500xf32>
    %min3A_102 = arith.minimumf %min3A_101, %max3A_100 : vector<8x2500xf32>
    %swap3A_103 = arith.constant 0 : index
    %swap3A_104 = arith.constant 0 : index
    %swap3A_105 = arith.constant 0 : index
    %swap3A_106 = arith.constant 0 : index
    %swap3A_107 = vector.load %arg4[%swap3A_103, %swap3A_104, %swap3A_105, %swap3A_106] : memref<2x4x8x2500xf32, #tpu.memory_space<vmem>>, vector<1x1x8x2500xf32>
    %swap3A_108 = vector.shape_cast %swap3A_107 : vector<1x1x8x2500xf32> to vector<8x2500xf32>
    %swap3A_109 = vector.shape_cast %min3A_102 : vector<8x2500xf32> to vector<1x1x8x2500xf32>
    tpu.vector_store %arg4[%swap3A_103, %swap3A_104, %swap3A_105, %swap3A_106], %swap3A_109 {strides = array<i32>} : memref<2x4x8x2500xf32, #tpu.memory_space<vmem>>, vector<1x1x8x2500xf32>,
    %mul3A_110 = arith.constant 5.000000e-01 : f32
    %mul3A_111 = vector.broadcast %mul3A_110 : f32 to vector<8x2500xf32>
    %mul3A_112 = arith.mulf %mul3A_111, %mul3A_93 : vector<8x2500xf32>
    %sub3A_113 = arith.subf %add3A_89, %mul3A_112 : vector<8x2500xf32>
    %jit3A_114 = arith.constant 0.000000e+00 : f32
    %jit3A_115 = arith.constant 8.000000e+02 : f32
    %max3A_116 = vector.broadcast %jit3A_114 : f32 to vector<8x2500xf32>
    %max3A_117 = arith.maximumf %max3A_116, %sub3A_113 : vector<8x2500xf32>
    %min3A_118 = vector.broadcast %jit3A_115 : f32 to vector<8x2500xf32>
    %min3A_119 = arith.minimumf %min3A_118, %max3A_117 : vector<8x2500xf32>
    %swap3A_120 = arith.constant 0 : index
    %swap3A_121 = arith.constant 1 : index
    %swap3A_122 = arith.constant 0 : index
    %swap3A_123 = arith.constant 0 : index
    %swap3A_124 = vector.load %arg4[%swap3A_120, %swap3A_121, %swap3A_122, %swap3A_123] : memref<2x4x8x2500xf32, #tpu.memory_space<vmem>>, vector<1x1x8x2500xf32>
    %swap3A_125 = vector.shape_cast %swap3A_124 : vector<1x1x8x2500xf32> to vector<8x2500xf32>
    %swap3A_126 = vector.shape_cast %min3A_119 : vector<8x2500xf32> to vector<1x1x8x2500xf32>
    tpu.vector_store %arg4[%swap3A_120, %swap3A_121, %swap3A_122, %swap3A_123], %swap3A_126 {strides = array<i32>} : memref<2x4x8x2500xf32, #tpu.memory_space<vmem>>, vector<1x1x8x2500xf32>,
    %mul3A_127 = arith.constant 5.000000e-01 : f32
    %mul3A_128 = vector.broadcast %mul3A_127 : f32 to vector<8x2500xf32>
    %mul3A_129 = arith.mulf %mul3A_128, %mul3A_91 : vector<8x2500xf32>
    %add3A_130 = arith.addf %add3A_87, %mul3A_129 : vector<8x2500xf32>
    %jit3A_131 = arith.constant 0.000000e+00 : f32
    %jit3A_132 = arith.constant 8.000000e+02 : f32
    %max3A_133 = vector.broadcast %jit3A_131 : f32 to vector<8x2500xf32>
    %max3A_134 = arith.maximumf %max3A_133, %add3A_130 : vector<8x2500xf32>
    %min3A_135 = vector.broadcast %jit3A_132 : f32 to vector<8x2500xf32>
    %min3A_136 = arith.minimumf %min3A_135, %max3A_134 : vector<8x2500xf32>
    %swap3A_137 = arith.constant 0 : index
    %swap3A_138 = arith.constant 2 : index
    %swap3A_139 = arith.constant 0 : index
    %swap3A_140 = arith.constant 0 : index
    %swap3A_141 = vector.load %arg4[%swap3A_137, %swap3A_138, %swap3A_139, %swap3A_140] : memref<2x4x8x2500xf32, #tpu.memory_space<vmem>>, vector<1x1x8x2500xf32>
    %swap3A_142 = vector.shape_cast %swap3A_141 : vector<1x1x8x2500xf32> to vector<8x2500xf32>
    %swap3A_143 = vector.shape_cast %min3A_136 : vector<8x2500xf32> to vector<1x1x8x2500xf32>
    tpu.vector_store %arg4[%swap3A_137, %swap3A_138, %swap3A_139, %swap3A_140], %swap3A_143 {strides = array<i32>} : memref<2x4x8x2500xf32, #tpu.memory_space<vmem>>, vector<1x1x8x2500xf32>,
    %mul3A_144 = arith.constant 5.000000e-01 : f32
    %mul3A_145 = vector.broadcast %mul3A_144 : f32 to vector<8x2500xf32>
    %mul3A_146 = arith.mulf %mul3A_145, %mul3A_93 : vector<8x2500xf32>
    %add3A_147 = arith.addf %add3A_89, %mul3A_146 : vector<8x2500xf32>
    %jit3A_148 = arith.constant 0.000000e+00 : f32
    %jit3A_149 = arith.constant 8.000000e+02 : f32
    %max3A_150 = vector.broadcast %jit3A_148 : f32 to vector<8x2500xf32>
    %max3A_151 = arith.maximumf %max3A_150, %add3A_147 : vector<8x2500xf32>
    %min3A_152 = vector.broadcast %jit3A_149 : f32 to vector<8x2500xf32>
    %min3A_153 = arith.minimumf %min3A_152, %max3A_151 : vector<8x2500xf32>
    %swap3A_154 = arith.constant 0 : index
    %swap3A_155 = arith.constant 3 : index
    %swap3A_156 = arith.constant 0 : index
    %swap3A_157 = arith.constant 0 : index
    %swap3A_158 = vector.load %arg4[%swap3A_154, %swap3A_155, %swap3A_156, %swap3A_157] : memref<2x4x8x2500xf32, #tpu.memory_space<vmem>>, vector<1x1x8x2500xf32>
    %swap3A_159 = vector.shape_cast %swap3A_158 : vector<1x1x8x2500xf32> to vector<8x2500xf32>
    %swap3A_160 = vector.shape_cast %min3A_153 : vector<8x2500xf32> to vector<1x1x8x2500xf32>
    tpu.vector_store %arg4[%swap3A_154, %swap3A_155, %swap3A_156, %swap3A_157], %swap3A_160 {strides = array<i32>} : memref<2x4x8x2500xf32, #tpu.memory_space<vmem>>, vector<1x1x8x2500xf32>,
    %get3A_161 = arith.constant 1 : index
    %get3A_162 = arith.constant 0 : index
    %get3A_163 = arith.constant 0 : index
    %get3A_164 = arith.constant 0 : index
    %get3A_165 = vector.load %arg0[%get3A_161, %get3A_162, %get3A_163, %get3A_164] : memref<2x2x8x2500xf32, #tpu.memory_space<vmem>>, vector<1x1x8x2500xf32>
    %get3A_166 = vector.shape_cast %get3A_165 : vector<1x1x8x2500xf32> to vector<8x2500xf32>
    %get3A_167 = arith.constant 1 : index
    %get3A_168 = arith.constant 1 : index
    %get3A_169 = arith.constant 0 : index
    %get3A_170 = arith.constant 0 : index
    %get3A_171 = vector.load %arg0[%get3A_167, %get3A_168, %get3A_169, %get3A_170] : memref<2x2x8x2500xf32, #tpu.memory_space<vmem>>, vector<1x1x8x2500xf32>
    %get3A_172 = vector.shape_cast %get3A_171 : vector<1x1x8x2500xf32> to vector<8x2500xf32>
    %max3A_173 = arith.maximumf %get3A_166, %get3A_172 : vector<8x2500xf32>
    %sub3A_174 = arith.subf %get3A_166, %max3A_173 : vector<8x2500xf32>
    %exp3A_175 = math.exp %sub3A_174 : vector<8x2500xf32>
    %sub3A_176 = arith.subf %get3A_172, %max3A_173 : vector<8x2500xf32>
    %exp3A_177 = math.exp %sub3A_176 : vector<8x2500xf32>
    %add3A_178 = arith.addf %exp3A_175, %exp3A_177 : vector<8x2500xf32>
    %div3A_179 = arith.divf %exp3A_177, %add3A_178 : vector<8x2500xf32>
    %swap3A_180 = arith.constant 1 : index
    %swap3A_181 = arith.constant 0 : index
    %swap3A_182 = arith.constant 0 : index
    %swap3A_183 = vector.load %arg3[%swap3A_180, %swap3A_181, %swap3A_182] : memref<2x8x2500xf32, #tpu.memory_space<vmem>>, vector<1x8x2500xf32>
    %swap3A_184 = vector.shape_cast %swap3A_183 : vector<1x8x2500xf32> to vector<8x2500xf32>
    %swap3A_185 = vector.shape_cast %div3A_179 : vector<8x2500xf32> to vector<1x8x2500xf32>
    tpu.vector_store %arg3[%swap3A_180, %swap3A_181, %swap3A_182], %swap3A_185 {strides = array<i32>} : memref<2x8x2500xf32, #tpu.memory_space<vmem>>, vector<1x8x2500xf32>,
    %get3A_186 = arith.constant 1 : index
    %get3A_187 = arith.constant 0 : index
    %get3A_188 = arith.constant 0 : index
    %get3A_189 = arith.constant 0 : index
    %get3A_190 = vector.load %arg1[%get3A_186, %get3A_187, %get3A_188, %get3A_189] : memref<2x4x8x2500xf32, #tpu.memory_space<vmem>>, vector<1x1x8x2500xf32>
    %get3A_191 = vector.shape_cast %get3A_190 : vector<1x1x8x2500xf32> to vector<8x2500xf32>
    %get3A_192 = arith.constant 1 : index
    %get3A_193 = arith.constant 1 : index
    %get3A_194 = arith.constant 0 : index
    %get3A_195 = arith.constant 0 : index
    %get3A_196 = vector.load %arg1[%get3A_192, %get3A_193, %get3A_194, %get3A_195] : memref<2x4x8x2500xf32, #tpu.memory_space<vmem>>, vector<1x1x8x2500xf32>
    %get3A_197 = vector.shape_cast %get3A_196 : vector<1x1x8x2500xf32> to vector<8x2500xf32>
    %get3A_198 = arith.constant 1 : index
    %get3A_199 = arith.constant 2 : index
    %get3A_200 = arith.constant 0 : index
    %get3A_201 = arith.constant 0 : index
    %get3A_202 = vector.load %arg1[%get3A_198, %get3A_199, %get3A_200, %get3A_201] : memref<2x4x8x2500xf32, #tpu.memory_space<vmem>>, vector<1x1x8x2500xf32>
    %get3A_203 = vector.shape_cast %get3A_202 : vector<1x1x8x2500xf32> to vector<8x2500xf32>
    %min3A_204 = arith.constant 4.13516665 : f32
    %min3A_205 = vector.broadcast %min3A_204 : f32 to vector<8x2500xf32>
    %min3A_206 = arith.minimumf %get3A_203, %min3A_205 : vector<8x2500xf32>
    %get3A_207 = arith.constant 1 : index
    %get3A_208 = arith.constant 3 : index
    %get3A_209 = arith.constant 0 : index
    %get3A_210 = arith.constant 0 : index
    %get3A_211 = vector.load %arg1[%get3A_207, %get3A_208, %get3A_209, %get3A_210] : memref<2x4x8x2500xf32, #tpu.memory_space<vmem>>, vector<1x1x8x2500xf32>
    %get3A_212 = vector.shape_cast %get3A_211 : vector<1x1x8x2500xf32> to vector<8x2500xf32>
    %min3A_213 = arith.constant 4.13516665 : f32
    %min3A_214 = vector.broadcast %min3A_213 : f32 to vector<8x2500xf32>
    %min3A_215 = arith.minimumf %get3A_212, %min3A_214 : vector<8x2500xf32>
    %mul3A_216 = arith.mulf %get3A_191, %sub3A : vector<8x2500xf32>
    %add3A_217 = arith.addf %mul3A_216, %add3A : vector<8x2500xf32>
    %mul3A_218 = arith.mulf %get3A_197, %sub3A_19 : vector<8x2500xf32>
    %add3A_219 = arith.addf %mul3A_218, %add3A_35 : vector<8x2500xf32>
    %exp3A_220 = math.exp %min3A_206 : vector<8x2500xf32>
    %mul3A_221 = arith.mulf %exp3A_220, %sub3A : vector<8x2500xf32>
    %exp3A_222 = math.exp %min3A_215 : vector<8x2500xf32>
    %mul3A_223 = arith.mulf %exp3A_222, %sub3A_19 : vector<8x2500xf32>
    %mul3A_224 = arith.constant 5.000000e-01 : f32
    %mul3A_225 = vector.broadcast %mul3A_224 : f32 to vector<8x2500xf32>
    %mul3A_226 = arith.mulf %mul3A_225, %mul3A_221 : vector<8x2500xf32>
    %sub3A_227 = arith.subf %add3A_217, %mul3A_226 : vector<8x2500xf32>
    %jit3A_228 = arith.constant 0.000000e+00 : f32
    %jit3A_229 = arith.constant 8.000000e+02 : f32
    %max3A_230 = vector.broadcast %jit3A_228 : f32 to vector<8x2500xf32>
    %max3A_231 = arith.maximumf %max3A_230, %sub3A_227 : vector<8x2500xf32>
    %min3A_232 = vector.broadcast %jit3A_229 : f32 to vector<8x2500xf32>
    %min3A_233 = arith.minimumf %min3A_232, %max3A_231 : vector<8x2500xf32>
    %swap3A_234 = arith.constant 1 : index
    %swap3A_235 = arith.constant 0 : index
    %swap3A_236 = arith.constant 0 : index
    %swap3A_237 = arith.constant 0 : index
    %swap3A_238 = vector.load %arg4[%swap3A_234, %swap3A_235, %swap3A_236, %swap3A_237] : memref<2x4x8x2500xf32, #tpu.memory_space<vmem>>, vector<1x1x8x2500xf32>
    %swap3A_239 = vector.shape_cast %swap3A_238 : vector<1x1x8x2500xf32> to vector<8x2500xf32>
    %swap3A_240 = vector.shape_cast %min3A_233 : vector<8x2500xf32> to vector<1x1x8x2500xf32>
    tpu.vector_store %arg4[%swap3A_234, %swap3A_235, %swap3A_236, %swap3A_237], %swap3A_240 {strides = array<i32>} : memref<2x4x8x2500xf32, #tpu.memory_space<vmem>>, vector<1x1x8x2500xf32>,
    %mul3A_241 = arith.constant 5.000000e-01 : f32
    %mul3A_242 = vector.broadcast %mul3A_241 : f32 to vector<8x2500xf32>
    %mul3A_243 = arith.mulf %mul3A_242, %mul3A_223 : vector<8x2500xf32>
    %sub3A_244 = arith.subf %add3A_219, %mul3A_243 : vector<8x2500xf32>
    %jit3A_245 = arith.constant 0.000000e+00 : f32
    %jit3A_246 = arith.constant 8.000000e+02 : f32
    %max3A_247 = vector.broadcast %jit3A_245 : f32 to vector<8x2500xf32>
    %max3A_248 = arith.maximumf %max3A_247, %sub3A_244 : vector<8x2500xf32>
    %min3A_249 = vector.broadcast %jit3A_246 : f32 to vector<8x2500xf32>
    %min3A_250 = arith.minimumf %min3A_249, %max3A_248 : vector<8x2500xf32>
    %swap3A_251 = arith.constant 1 : index
    %swap3A_252 = arith.constant 1 : index
    %swap3A_253 = arith.constant 0 : index
    %swap3A_254 = arith.constant 0 : index
    %swap3A_255 = vector.load %arg4[%swap3A_251, %swap3A_252, %swap3A_253, %swap3A_254] : memref<2x4x8x2500xf32, #tpu.memory_space<vmem>>, vector<1x1x8x2500xf32>
    %swap3A_256 = vector.shape_cast %swap3A_255 : vector<1x1x8x2500xf32> to vector<8x2500xf32>
    %swap3A_257 = vector.shape_cast %min3A_250 : vector<8x2500xf32> to vector<1x1x8x2500xf32>
    tpu.vector_store %arg4[%swap3A_251, %swap3A_252, %swap3A_253, %swap3A_254], %swap3A_257 {strides = array<i32>} : memref<2x4x8x2500xf32, #tpu.memory_space<vmem>>, vector<1x1x8x2500xf32>,
    %mul3A_258 = arith.constant 5.000000e-01 : f32
    %mul3A_259 = vector.broadcast %mul3A_258 : f32 to vector<8x2500xf32>
    %mul3A_260 = arith.mulf %mul3A_259, %mul3A_221 : vector<8x2500xf32>
    %add3A_261 = arith.addf %add3A_217, %mul3A_260 : vector<8x2500xf32>
    %jit3A_262 = arith.constant 0.000000e+00 : f32
    %jit3A_263 = arith.constant 8.000000e+02 : f32
    %max3A_264 = vector.broadcast %jit3A_262 : f32 to vector<8x2500xf32>
    %max3A_265 = arith.maximumf %max3A_264, %add3A_261 : vector<8x2500xf32>
    %min3A_266 = vector.broadcast %jit3A_263 : f32 to vector<8x2500xf32>
    %min3A_267 = arith.minimumf %min3A_266, %max3A_265 : vector<8x2500xf32>
    %swap3A_268 = arith.constant 1 : index
    %swap3A_269 = arith.constant 2 : index
    %swap3A_270 = arith.constant 0 : index
    %swap3A_271 = arith.constant 0 : index
    %swap3A_272 = vector.load %arg4[%swap3A_268, %swap3A_269, %swap3A_270, %swap3A_271] : memref<2x4x8x2500xf32, #tpu.memory_space<vmem>>, vector<1x1x8x2500xf32>
    %swap3A_273 = vector.shape_cast %swap3A_272 : vector<1x1x8x2500xf32> to vector<8x2500xf32>
    %swap3A_274 = vector.shape_cast %min3A_267 : vector<8x2500xf32> to vector<1x1x8x2500xf32>
    tpu.vector_store %arg4[%swap3A_268, %swap3A_269, %swap3A_270, %swap3A_271], %swap3A_274 {strides = array<i32>} : memref<2x4x8x2500xf32, #tpu.memory_space<vmem>>, vector<1x1x8x2500xf32>,
    %mul3A_275 = arith.constant 5.000000e-01 : f32
    %mul3A_276 = vector.broadcast %mul3A_275 : f32 to vector<8x2500xf32>
    %mul3A_277 = arith.mulf %mul3A_276, %mul3A_223 : vector<8x2500xf32>
    %add3A_278 = arith.addf %add3A_219, %mul3A_277 : vector<8x2500xf32>
    %jit3A_279 = arith.constant 0.000000e+00 : f32
    %jit3A_280 = arith.constant 8.000000e+02 : f32
    %max3A_281 = vector.broadcast %jit3A_279 : f32 to vector<8x2500xf32>
    %max3A_282 = arith.maximumf %max3A_281, %add3A_278 : vector<8x2500xf32>
    %min3A_283 = vector.broadcast %jit3A_280 : f32 to vector<8x2500xf32>
    %min3A_284 = arith.minimumf %min3A_283, %max3A_282 : vector<8x2500xf32>
    %swap3A_285 = arith.constant 1 : index
    %swap3A_286 = arith.constant 3 : index
    %swap3A_287 = arith.constant 0 : index
    %swap3A_288 = arith.constant 0 : index
    %swap3A_289 = vector.load %arg4[%swap3A_285, %swap3A_286, %swap3A_287, %swap3A_288] : memref<2x4x8x2500xf32, #tpu.memory_space<vmem>>, vector<1x1x8x2500xf32>
    %swap3A_290 = vector.shape_cast %swap3A_289 : vector<1x1x8x2500xf32> to vector<8x2500xf32>
    %swap3A_291 = vector.shape_cast %min3A_284 : vector<8x2500xf32> to vector<1x1x8x2500xf32>
    tpu.vector_store %arg4[%swap3A_285, %swap3A_286, %swap3A_287, %swap3A_288], %swap3A_291 {strides = array<i32>} : memref<2x4x8x2500xf32, #tpu.memory_space<vmem>>, vector<1x1x8x2500xf32>,
    return
  }
}

module attributes {stable_mosaic.version = 14 : i64} {
  func.func @_nms(%arg0: i32, %arg1: memref<1x4x1000xf32, #tpu.memory_space<vmem>>, %arg2: memref<1x1000x4xf32, #tpu.memory_space<vmem>>, %arg3: memref<1x1000x1xf32, #tpu.memory_space<vmem>>, %arg4: memref<1x1000x5xf32, #tpu.memory_space<vmem>>, %arg5: memref<1000x1000xf32, #tpu.memory_space<vmem>>) attributes {dimension_semantics = [#tpu.dimension_semantics<arbitrary>], iteration_bounds = array<i64: 2>, scalar_prefetch = 0 : i64, scratch_operands = 1 : i64, tpu.core_type = #tpu.core_type<tc>, window_params = [{transform_indices = @transform_0, window_bounds = array<i64: 1, 4, 1000>}, {transform_indices = @transform_1, window_bounds = array<i64: 1, 1000, 4>}, {transform_indices = @transform_2, window_bounds = array<i64: 1, 1000, 1>}, {transform_indices = @transform_3, window_bounds = array<i64: 1, 1000, 5>}]} {
    %get3A = arith.constant 0 : index
    %get3A_0 = arith.constant 0 : index
    %get3A_1 = arith.constant 0 : index
    %get3A_2 = vector.load %arg1[%get3A, %get3A_0, %get3A_1] : memref<1x4x1000xf32, #tpu.memory_space<vmem>>, vector<1x1x1000xf32>
    %get3A_3 = vector.shape_cast %get3A_2 : vector<1x1x1000xf32> to vector<1x1000xf32>
    %get3A_4 = arith.constant 0 : index
    %get3A_5 = arith.constant 1 : index
    %get3A_6 = arith.constant 0 : index
    %get3A_7 = vector.load %arg1[%get3A_4, %get3A_5, %get3A_6] : memref<1x4x1000xf32, #tpu.memory_space<vmem>>, vector<1x1x1000xf32>
    %get3A_8 = vector.shape_cast %get3A_7 : vector<1x1x1000xf32> to vector<1x1000xf32>
    %get3A_9 = arith.constant 0 : index
    %get3A_10 = arith.constant 2 : index
    %get3A_11 = arith.constant 0 : index
    %get3A_12 = vector.load %arg1[%get3A_9, %get3A_10, %get3A_11] : memref<1x4x1000xf32, #tpu.memory_space<vmem>>, vector<1x1x1000xf32>
    %get3A_13 = vector.shape_cast %get3A_12 : vector<1x1x1000xf32> to vector<1x1000xf32>
    %get3A_14 = arith.constant 0 : index
    %get3A_15 = arith.constant 3 : index
    %get3A_16 = arith.constant 0 : index
    %get3A_17 = vector.load %arg1[%get3A_14, %get3A_15, %get3A_16] : memref<1x4x1000xf32, #tpu.memory_space<vmem>>, vector<1x1x1000xf32>
    %get3A_18 = vector.shape_cast %get3A_17 : vector<1x1x1000xf32> to vector<1x1000xf32>
    %get3A_19 = arith.constant 0 : index
    %get3A_20 = arith.constant 0 : index
    %get3A_21 = arith.constant 0 : index
    %get3A_22 = vector.load %arg2[%get3A_19, %get3A_20, %get3A_21] : memref<1x1000x4xf32, #tpu.memory_space<vmem>>, vector<1x1000x1xf32>
    %get3A_23 = vector.shape_cast %get3A_22 : vector<1x1000x1xf32> to vector<1000x1xf32>
    %get3A_24 = arith.constant 0 : index
    %get3A_25 = arith.constant 0 : index
    %get3A_26 = arith.constant 1 : index
    %get3A_27 = vector.load %arg2[%get3A_24, %get3A_25, %get3A_26] : memref<1x1000x4xf32, #tpu.memory_space<vmem>>, vector<1x1000x1xf32>
    %get3A_28 = vector.shape_cast %get3A_27 : vector<1x1000x1xf32> to vector<1000x1xf32>
    %get3A_29 = arith.constant 0 : index
    %get3A_30 = arith.constant 0 : index
    %get3A_31 = arith.constant 2 : index
    %get3A_32 = vector.load %arg2[%get3A_29, %get3A_30, %get3A_31] : memref<1x1000x4xf32, #tpu.memory_space<vmem>>, vector<1x1000x1xf32>
    %get3A_33 = vector.shape_cast %get3A_32 : vector<1x1000x1xf32> to vector<1000x1xf32>
    %get3A_34 = arith.constant 0 : index
    %get3A_35 = arith.constant 0 : index
    %get3A_36 = arith.constant 3 : index
    %get3A_37 = vector.load %arg2[%get3A_34, %get3A_35, %get3A_36] : memref<1x1000x4xf32, #tpu.memory_space<vmem>>, vector<1x1000x1xf32>
    %get3A_38 = vector.shape_cast %get3A_37 : vector<1x1000x1xf32> to vector<1000x1xf32>
    %sub3A = arith.subf %get3A_13, %get3A_3 : vector<1x1000xf32>
    %sub3A_39 = arith.subf %get3A_18, %get3A_8 : vector<1x1000xf32>
    %mul3A = arith.mulf %sub3A, %sub3A_39 : vector<1x1000xf32>
    %sub3A_40 = arith.subf %get3A_33, %get3A_23 : vector<1000x1xf32>
    %sub3A_41 = arith.subf %get3A_38, %get3A_28 : vector<1000x1xf32>
    %mul3A_42 = arith.mulf %sub3A_40, %sub3A_41 : vector<1000x1xf32>
    %min3A = vector.broadcast %get3A_33 : vector<1000x1xf32> to vector<1000x1000xf32>
    %min3A_43 = vector.broadcast %get3A_13 : vector<1x1000xf32> to vector<1000x1000xf32>
    %min3A_44 = arith.minimumf %min3A, %min3A_43 : vector<1000x1000xf32>
    %max3A = vector.broadcast %get3A_23 : vector<1000x1xf32> to vector<1000x1000xf32>
    %max3A_45 = vector.broadcast %get3A_3 : vector<1x1000xf32> to vector<1000x1000xf32>
    %max3A_46 = arith.maximumf %max3A, %max3A_45 : vector<1000x1000xf32>
    %sub3A_47 = arith.subf %min3A_44, %max3A_46 : vector<1000x1000xf32>
    %max3A_48 = arith.constant 0.000000e+00 : f32
    %max3A_49 = vector.broadcast %max3A_48 : f32 to vector<1000x1000xf32>
    %max3A_50 = arith.maximumf %sub3A_47, %max3A_49 : vector<1000x1000xf32>
    %min3A_51 = vector.broadcast %get3A_38 : vector<1000x1xf32> to vector<1000x1000xf32>
    %min3A_52 = vector.broadcast %get3A_18 : vector<1x1000xf32> to vector<1000x1000xf32>
    %min3A_53 = arith.minimumf %min3A_51, %min3A_52 : vector<1000x1000xf32>
    %max3A_54 = vector.broadcast %get3A_28 : vector<1000x1xf32> to vector<1000x1000xf32>
    %max3A_55 = vector.broadcast %get3A_8 : vector<1x1000xf32> to vector<1000x1000xf32>
    %max3A_56 = arith.maximumf %max3A_54, %max3A_55 : vector<1000x1000xf32>
    %sub3A_57 = arith.subf %min3A_53, %max3A_56 : vector<1000x1000xf32>
    %max3A_58 = arith.constant 0.000000e+00 : f32
    %max3A_59 = vector.broadcast %max3A_58 : f32 to vector<1000x1000xf32>
    %max3A_60 = arith.maximumf %sub3A_57, %max3A_59 : vector<1000x1000xf32>
    %mul3A_61 = arith.mulf %max3A_50, %max3A_60 : vector<1000x1000xf32>
    %add3A = vector.broadcast %mul3A_42 : vector<1000x1xf32> to vector<1000x1000xf32>
    %add3A_62 = vector.broadcast %mul3A : vector<1x1000xf32> to vector<1000x1000xf32>
    %add3A_63 = arith.addf %add3A, %add3A_62 : vector<1000x1000xf32>
    %sub3A_64 = arith.subf %add3A_63, %mul3A_61 : vector<1000x1000xf32>
    %add3A_65 = arith.constant 9.99999971E-10 : f32
    %add3A_66 = vector.broadcast %add3A_65 : f32 to vector<1000x1000xf32>
    %add3A_67 = arith.addf %sub3A_64, %add3A_66 : vector<1000x1000xf32>
    %div3A = arith.divf %mul3A_61, %add3A_67 : vector<1000x1000xf32>
    %swap3A = arith.constant 0 : index
    %swap3A_68 = arith.constant 0 : index
    %swap3A_69 = vector.load %arg5[%swap3A, %swap3A_68] : memref<1000x1000xf32, #tpu.memory_space<vmem>>, vector<1000x1000xf32>
    tpu.vector_store %arg5[%swap3A, %swap3A_68], %div3A {strides = array<i32>} : memref<1000x1000xf32, #tpu.memory_space<vmem>>, vector<1000x1000xf32>,
    %iota3A = tpu.iota {dimensions = array<i32: 1>} : vector<1x1000xi32>
    %broadcast_in_dim3A = arith.constant 0.000000e+00 : f32
    %broadcast_in_dim3A_70 = vector.broadcast %broadcast_in_dim3A : f32 to vector<1x1000xf32>
    %scan3A = arith.constant 0 : i32
    %scan3A_71 = arith.constant 1000 : i32
    %scan3A_72 = arith.addi %scan3A, %scan3A_71 : i32
    %scan3A_73 = arith.constant 8 : i32
    %scan3A_74 = scf.for %scan3A_116 = %scan3A to %scan3A_72 step %scan3A_73 iter_args(%scan3A_117 = %broadcast_in_dim3A_70) -> (vector<1x1000xf32>)  : i32 {
      %eq3A_118 = vector.broadcast %scan3A_116 : i32 to vector<1x1000xi32>
      %eq3A_119 = arith.cmpi eq, %iota3A, %eq3A_118 : vector<1x1000xi32>
      %jit3A_120 = arith.constant 0.000000e+00 : f32
      %broadcast_in_dim3A_121 = vector.broadcast %jit3A_120 : f32 to vector<1x1000xf32>
      %select_n3A_122 = arith.select %eq3A_119, %scan3A_117, %broadcast_in_dim3A_121 : vector<1x1000xi1>, vector<1x1000xf32>
      %reduce_sum3A = vector.shape_cast %select_n3A_122 : vector<1x1000xf32> to vector<1x1x1000xf32>
      %reduce_sum3A_123 = arith.constant dense<0.000000e+00> : vector<1xf32>
      %reduce_sum3A_124 = vector.multi_reduction <add>, %reduce_sum3A, %reduce_sum3A_123 [1, 2] : vector<1x1x1000xf32> to vector<1xf32>
      %reduce_sum3A_125 = vector.shape_cast %reduce_sum3A_124 : vector<1xf32> to vector<1x1x1xf32>
      %reduce_sum3A_126 = vector.extract %reduce_sum3A_125[0, 0, 0] : f32 from vector<1x1x1xf32>
      %lt3A_127 = arith.constant 5.000000e-01 : f32
      %lt3A_128 = arith.cmpf olt, %reduce_sum3A_126, %lt3A_127 : f32
      %jit3A_129 = arith.constant 1.000000e+00 : f32
      %jit3A_130 = arith.constant 0.000000e+00 : f32
      %select_n3A_131 = arith.select %lt3A_128, %jit3A_129, %jit3A_130 : f32
      %get3A_132 = arith.index_cast %scan3A_116 : i32 to index
      %get3A_133 = arith.constant 0 : index
      %get3A_134 = vector.load %arg5[%get3A_132, %get3A_133] : memref<1000x1000xf32, #tpu.memory_space<vmem>>, vector<1x1000xf32>
      %gt3A_135 = arith.constant 0.699999988 : f32
      %gt3A_136 = vector.broadcast %gt3A_135 : f32 to vector<1x1000xf32>
      %gt3A_137 = arith.cmpf ogt, %get3A_134, %gt3A_136 : vector<1x1000xf32>
      %gt3A_138 = vector.broadcast %scan3A_116 : i32 to vector<1x1000xi32>
      %gt3A_139 = arith.cmpi sgt, %iota3A, %gt3A_138 : vector<1x1000xi32>
      %and3A_140 = arith.andi %gt3A_137, %gt3A_139 : vector<1x1000xi1>
      %jit3A_141 = arith.constant 0.000000e+00 : f32
      %broadcast_in_dim3A_142 = vector.broadcast %select_n3A_131 : f32 to vector<1x1000xf32>
      %broadcast_in_dim3A_143 = vector.broadcast %jit3A_141 : f32 to vector<1x1000xf32>
      %select_n3A_144 = arith.select %and3A_140, %broadcast_in_dim3A_142, %broadcast_in_dim3A_143 : vector<1x1000xi1>, vector<1x1000xf32>
      %max3A_145 = arith.maximumf %scan3A_117, %select_n3A_144 : vector<1x1000xf32>
      %scan3A_146 = arith.constant 1 : i32
      %scan3A_147 = arith.addi %scan3A_116, %scan3A_146 : i32
      %eq3A_148 = vector.broadcast %scan3A_147 : i32 to vector<1x1000xi32>
      %eq3A_149 = arith.cmpi eq, %iota3A, %eq3A_148 : vector<1x1000xi32>
      %jit3A_150 = arith.constant 0.000000e+00 : f32
      %broadcast_in_dim3A_151 = vector.broadcast %jit3A_150 : f32 to vector<1x1000xf32>
      %select_n3A_152 = arith.select %eq3A_149, %max3A_145, %broadcast_in_dim3A_151 : vector<1x1000xi1>, vector<1x1000xf32>
      %reduce_sum3A_153 = vector.shape_cast %select_n3A_152 : vector<1x1000xf32> to vector<1x1x1000xf32>
      %reduce_sum3A_154 = arith.constant dense<0.000000e+00> : vector<1xf32>
      %reduce_sum3A_155 = vector.multi_reduction <add>, %reduce_sum3A_153, %reduce_sum3A_154 [1, 2] : vector<1x1x1000xf32> to vector<1xf32>
      %reduce_sum3A_156 = vector.shape_cast %reduce_sum3A_155 : vector<1xf32> to vector<1x1x1xf32>
      %reduce_sum3A_157 = vector.extract %reduce_sum3A_156[0, 0, 0] : f32 from vector<1x1x1xf32>
      %lt3A_158 = arith.constant 5.000000e-01 : f32
      %lt3A_159 = arith.cmpf olt, %reduce_sum3A_157, %lt3A_158 : f32
      %jit3A_160 = arith.constant 1.000000e+00 : f32
      %jit3A_161 = arith.constant 0.000000e+00 : f32
      %select_n3A_162 = arith.select %lt3A_159, %jit3A_160, %jit3A_161 : f32
      %get3A_163 = arith.index_cast %scan3A_147 : i32 to index
      %get3A_164 = arith.constant 0 : index
      %get3A_165 = vector.load %arg5[%get3A_163, %get3A_164] : memref<1000x1000xf32, #tpu.memory_space<vmem>>, vector<1x1000xf32>
      %gt3A_166 = arith.constant 0.699999988 : f32
      %gt3A_167 = vector.broadcast %gt3A_166 : f32 to vector<1x1000xf32>
      %gt3A_168 = arith.cmpf ogt, %get3A_165, %gt3A_167 : vector<1x1000xf32>
      %gt3A_169 = vector.broadcast %scan3A_147 : i32 to vector<1x1000xi32>
      %gt3A_170 = arith.cmpi sgt, %iota3A, %gt3A_169 : vector<1x1000xi32>
      %and3A_171 = arith.andi %gt3A_168, %gt3A_170 : vector<1x1000xi1>
      %jit3A_172 = arith.constant 0.000000e+00 : f32
      %broadcast_in_dim3A_173 = vector.broadcast %select_n3A_162 : f32 to vector<1x1000xf32>
      %broadcast_in_dim3A_174 = vector.broadcast %jit3A_172 : f32 to vector<1x1000xf32>
      %select_n3A_175 = arith.select %and3A_171, %broadcast_in_dim3A_173, %broadcast_in_dim3A_174 : vector<1x1000xi1>, vector<1x1000xf32>
      %max3A_176 = arith.maximumf %max3A_145, %select_n3A_175 : vector<1x1000xf32>
      %scan3A_177 = arith.constant 2 : i32
      %scan3A_178 = arith.addi %scan3A_116, %scan3A_177 : i32
      %eq3A_179 = vector.broadcast %scan3A_178 : i32 to vector<1x1000xi32>
      %eq3A_180 = arith.cmpi eq, %iota3A, %eq3A_179 : vector<1x1000xi32>
      %jit3A_181 = arith.constant 0.000000e+00 : f32
      %broadcast_in_dim3A_182 = vector.broadcast %jit3A_181 : f32 to vector<1x1000xf32>
      %select_n3A_183 = arith.select %eq3A_180, %max3A_176, %broadcast_in_dim3A_182 : vector<1x1000xi1>, vector<1x1000xf32>
      %reduce_sum3A_184 = vector.shape_cast %select_n3A_183 : vector<1x1000xf32> to vector<1x1x1000xf32>
      %reduce_sum3A_185 = arith.constant dense<0.000000e+00> : vector<1xf32>
      %reduce_sum3A_186 = vector.multi_reduction <add>, %reduce_sum3A_184, %reduce_sum3A_185 [1, 2] : vector<1x1x1000xf32> to vector<1xf32>
      %reduce_sum3A_187 = vector.shape_cast %reduce_sum3A_186 : vector<1xf32> to vector<1x1x1xf32>
      %reduce_sum3A_188 = vector.extract %reduce_sum3A_187[0, 0, 0] : f32 from vector<1x1x1xf32>
      %lt3A_189 = arith.constant 5.000000e-01 : f32
      %lt3A_190 = arith.cmpf olt, %reduce_sum3A_188, %lt3A_189 : f32
      %jit3A_191 = arith.constant 1.000000e+00 : f32
      %jit3A_192 = arith.constant 0.000000e+00 : f32
      %select_n3A_193 = arith.select %lt3A_190, %jit3A_191, %jit3A_192 : f32
      %get3A_194 = arith.index_cast %scan3A_178 : i32 to index
      %get3A_195 = arith.constant 0 : index
      %get3A_196 = vector.load %arg5[%get3A_194, %get3A_195] : memref<1000x1000xf32, #tpu.memory_space<vmem>>, vector<1x1000xf32>
      %gt3A_197 = arith.constant 0.699999988 : f32
      %gt3A_198 = vector.broadcast %gt3A_197 : f32 to vector<1x1000xf32>
      %gt3A_199 = arith.cmpf ogt, %get3A_196, %gt3A_198 : vector<1x1000xf32>
      %gt3A_200 = vector.broadcast %scan3A_178 : i32 to vector<1x1000xi32>
      %gt3A_201 = arith.cmpi sgt, %iota3A, %gt3A_200 : vector<1x1000xi32>
      %and3A_202 = arith.andi %gt3A_199, %gt3A_201 : vector<1x1000xi1>
      %jit3A_203 = arith.constant 0.000000e+00 : f32
      %broadcast_in_dim3A_204 = vector.broadcast %select_n3A_193 : f32 to vector<1x1000xf32>
      %broadcast_in_dim3A_205 = vector.broadcast %jit3A_203 : f32 to vector<1x1000xf32>
      %select_n3A_206 = arith.select %and3A_202, %broadcast_in_dim3A_204, %broadcast_in_dim3A_205 : vector<1x1000xi1>, vector<1x1000xf32>
      %max3A_207 = arith.maximumf %max3A_176, %select_n3A_206 : vector<1x1000xf32>
      %scan3A_208 = arith.constant 3 : i32
      %scan3A_209 = arith.addi %scan3A_116, %scan3A_208 : i32
      %eq3A_210 = vector.broadcast %scan3A_209 : i32 to vector<1x1000xi32>
      %eq3A_211 = arith.cmpi eq, %iota3A, %eq3A_210 : vector<1x1000xi32>
      %jit3A_212 = arith.constant 0.000000e+00 : f32
      %broadcast_in_dim3A_213 = vector.broadcast %jit3A_212 : f32 to vector<1x1000xf32>
      %select_n3A_214 = arith.select %eq3A_211, %max3A_207, %broadcast_in_dim3A_213 : vector<1x1000xi1>, vector<1x1000xf32>
      %reduce_sum3A_215 = vector.shape_cast %select_n3A_214 : vector<1x1000xf32> to vector<1x1x1000xf32>
      %reduce_sum3A_216 = arith.constant dense<0.000000e+00> : vector<1xf32>
      %reduce_sum3A_217 = vector.multi_reduction <add>, %reduce_sum3A_215, %reduce_sum3A_216 [1, 2] : vector<1x1x1000xf32> to vector<1xf32>
      %reduce_sum3A_218 = vector.shape_cast %reduce_sum3A_217 : vector<1xf32> to vector<1x1x1xf32>
      %reduce_sum3A_219 = vector.extract %reduce_sum3A_218[0, 0, 0] : f32 from vector<1x1x1xf32>
      %lt3A_220 = arith.constant 5.000000e-01 : f32
      %lt3A_221 = arith.cmpf olt, %reduce_sum3A_219, %lt3A_220 : f32
      %jit3A_222 = arith.constant 1.000000e+00 : f32
      %jit3A_223 = arith.constant 0.000000e+00 : f32
      %select_n3A_224 = arith.select %lt3A_221, %jit3A_222, %jit3A_223 : f32
      %get3A_225 = arith.index_cast %scan3A_209 : i32 to index
      %get3A_226 = arith.constant 0 : index
      %get3A_227 = vector.load %arg5[%get3A_225, %get3A_226] : memref<1000x1000xf32, #tpu.memory_space<vmem>>, vector<1x1000xf32>
      %gt3A_228 = arith.constant 0.699999988 : f32
      %gt3A_229 = vector.broadcast %gt3A_228 : f32 to vector<1x1000xf32>
      %gt3A_230 = arith.cmpf ogt, %get3A_227, %gt3A_229 : vector<1x1000xf32>
      %gt3A_231 = vector.broadcast %scan3A_209 : i32 to vector<1x1000xi32>
      %gt3A_232 = arith.cmpi sgt, %iota3A, %gt3A_231 : vector<1x1000xi32>
      %and3A_233 = arith.andi %gt3A_230, %gt3A_232 : vector<1x1000xi1>
      %jit3A_234 = arith.constant 0.000000e+00 : f32
      %broadcast_in_dim3A_235 = vector.broadcast %select_n3A_224 : f32 to vector<1x1000xf32>
      %broadcast_in_dim3A_236 = vector.broadcast %jit3A_234 : f32 to vector<1x1000xf32>
      %select_n3A_237 = arith.select %and3A_233, %broadcast_in_dim3A_235, %broadcast_in_dim3A_236 : vector<1x1000xi1>, vector<1x1000xf32>
      %max3A_238 = arith.maximumf %max3A_207, %select_n3A_237 : vector<1x1000xf32>
      %scan3A_239 = arith.constant 4 : i32
      %scan3A_240 = arith.addi %scan3A_116, %scan3A_239 : i32
      %eq3A_241 = vector.broadcast %scan3A_240 : i32 to vector<1x1000xi32>
      %eq3A_242 = arith.cmpi eq, %iota3A, %eq3A_241 : vector<1x1000xi32>
      %jit3A_243 = arith.constant 0.000000e+00 : f32
      %broadcast_in_dim3A_244 = vector.broadcast %jit3A_243 : f32 to vector<1x1000xf32>
      %select_n3A_245 = arith.select %eq3A_242, %max3A_238, %broadcast_in_dim3A_244 : vector<1x1000xi1>, vector<1x1000xf32>
      %reduce_sum3A_246 = vector.shape_cast %select_n3A_245 : vector<1x1000xf32> to vector<1x1x1000xf32>
      %reduce_sum3A_247 = arith.constant dense<0.000000e+00> : vector<1xf32>
      %reduce_sum3A_248 = vector.multi_reduction <add>, %reduce_sum3A_246, %reduce_sum3A_247 [1, 2] : vector<1x1x1000xf32> to vector<1xf32>
      %reduce_sum3A_249 = vector.shape_cast %reduce_sum3A_248 : vector<1xf32> to vector<1x1x1xf32>
      %reduce_sum3A_250 = vector.extract %reduce_sum3A_249[0, 0, 0] : f32 from vector<1x1x1xf32>
      %lt3A_251 = arith.constant 5.000000e-01 : f32
      %lt3A_252 = arith.cmpf olt, %reduce_sum3A_250, %lt3A_251 : f32
      %jit3A_253 = arith.constant 1.000000e+00 : f32
      %jit3A_254 = arith.constant 0.000000e+00 : f32
      %select_n3A_255 = arith.select %lt3A_252, %jit3A_253, %jit3A_254 : f32
      %get3A_256 = arith.index_cast %scan3A_240 : i32 to index
      %get3A_257 = arith.constant 0 : index
      %get3A_258 = vector.load %arg5[%get3A_256, %get3A_257] : memref<1000x1000xf32, #tpu.memory_space<vmem>>, vector<1x1000xf32>
      %gt3A_259 = arith.constant 0.699999988 : f32
      %gt3A_260 = vector.broadcast %gt3A_259 : f32 to vector<1x1000xf32>
      %gt3A_261 = arith.cmpf ogt, %get3A_258, %gt3A_260 : vector<1x1000xf32>
      %gt3A_262 = vector.broadcast %scan3A_240 : i32 to vector<1x1000xi32>
      %gt3A_263 = arith.cmpi sgt, %iota3A, %gt3A_262 : vector<1x1000xi32>
      %and3A_264 = arith.andi %gt3A_261, %gt3A_263 : vector<1x1000xi1>
      %jit3A_265 = arith.constant 0.000000e+00 : f32
      %broadcast_in_dim3A_266 = vector.broadcast %select_n3A_255 : f32 to vector<1x1000xf32>
      %broadcast_in_dim3A_267 = vector.broadcast %jit3A_265 : f32 to vector<1x1000xf32>
      %select_n3A_268 = arith.select %and3A_264, %broadcast_in_dim3A_266, %broadcast_in_dim3A_267 : vector<1x1000xi1>, vector<1x1000xf32>
      %max3A_269 = arith.maximumf %max3A_238, %select_n3A_268 : vector<1x1000xf32>
      %scan3A_270 = arith.constant 5 : i32
      %scan3A_271 = arith.addi %scan3A_116, %scan3A_270 : i32
      %eq3A_272 = vector.broadcast %scan3A_271 : i32 to vector<1x1000xi32>
      %eq3A_273 = arith.cmpi eq, %iota3A, %eq3A_272 : vector<1x1000xi32>
      %jit3A_274 = arith.constant 0.000000e+00 : f32
      %broadcast_in_dim3A_275 = vector.broadcast %jit3A_274 : f32 to vector<1x1000xf32>
      %select_n3A_276 = arith.select %eq3A_273, %max3A_269, %broadcast_in_dim3A_275 : vector<1x1000xi1>, vector<1x1000xf32>
      %reduce_sum3A_277 = vector.shape_cast %select_n3A_276 : vector<1x1000xf32> to vector<1x1x1000xf32>
      %reduce_sum3A_278 = arith.constant dense<0.000000e+00> : vector<1xf32>
      %reduce_sum3A_279 = vector.multi_reduction <add>, %reduce_sum3A_277, %reduce_sum3A_278 [1, 2] : vector<1x1x1000xf32> to vector<1xf32>
      %reduce_sum3A_280 = vector.shape_cast %reduce_sum3A_279 : vector<1xf32> to vector<1x1x1xf32>
      %reduce_sum3A_281 = vector.extract %reduce_sum3A_280[0, 0, 0] : f32 from vector<1x1x1xf32>
      %lt3A_282 = arith.constant 5.000000e-01 : f32
      %lt3A_283 = arith.cmpf olt, %reduce_sum3A_281, %lt3A_282 : f32
      %jit3A_284 = arith.constant 1.000000e+00 : f32
      %jit3A_285 = arith.constant 0.000000e+00 : f32
      %select_n3A_286 = arith.select %lt3A_283, %jit3A_284, %jit3A_285 : f32
      %get3A_287 = arith.index_cast %scan3A_271 : i32 to index
      %get3A_288 = arith.constant 0 : index
      %get3A_289 = vector.load %arg5[%get3A_287, %get3A_288] : memref<1000x1000xf32, #tpu.memory_space<vmem>>, vector<1x1000xf32>
      %gt3A_290 = arith.constant 0.699999988 : f32
      %gt3A_291 = vector.broadcast %gt3A_290 : f32 to vector<1x1000xf32>
      %gt3A_292 = arith.cmpf ogt, %get3A_289, %gt3A_291 : vector<1x1000xf32>
      %gt3A_293 = vector.broadcast %scan3A_271 : i32 to vector<1x1000xi32>
      %gt3A_294 = arith.cmpi sgt, %iota3A, %gt3A_293 : vector<1x1000xi32>
      %and3A_295 = arith.andi %gt3A_292, %gt3A_294 : vector<1x1000xi1>
      %jit3A_296 = arith.constant 0.000000e+00 : f32
      %broadcast_in_dim3A_297 = vector.broadcast %select_n3A_286 : f32 to vector<1x1000xf32>
      %broadcast_in_dim3A_298 = vector.broadcast %jit3A_296 : f32 to vector<1x1000xf32>
      %select_n3A_299 = arith.select %and3A_295, %broadcast_in_dim3A_297, %broadcast_in_dim3A_298 : vector<1x1000xi1>, vector<1x1000xf32>
      %max3A_300 = arith.maximumf %max3A_269, %select_n3A_299 : vector<1x1000xf32>
      %scan3A_301 = arith.constant 6 : i32
      %scan3A_302 = arith.addi %scan3A_116, %scan3A_301 : i32
      %eq3A_303 = vector.broadcast %scan3A_302 : i32 to vector<1x1000xi32>
      %eq3A_304 = arith.cmpi eq, %iota3A, %eq3A_303 : vector<1x1000xi32>
      %jit3A_305 = arith.constant 0.000000e+00 : f32
      %broadcast_in_dim3A_306 = vector.broadcast %jit3A_305 : f32 to vector<1x1000xf32>
      %select_n3A_307 = arith.select %eq3A_304, %max3A_300, %broadcast_in_dim3A_306 : vector<1x1000xi1>, vector<1x1000xf32>
      %reduce_sum3A_308 = vector.shape_cast %select_n3A_307 : vector<1x1000xf32> to vector<1x1x1000xf32>
      %reduce_sum3A_309 = arith.constant dense<0.000000e+00> : vector<1xf32>
      %reduce_sum3A_310 = vector.multi_reduction <add>, %reduce_sum3A_308, %reduce_sum3A_309 [1, 2] : vector<1x1x1000xf32> to vector<1xf32>
      %reduce_sum3A_311 = vector.shape_cast %reduce_sum3A_310 : vector<1xf32> to vector<1x1x1xf32>
      %reduce_sum3A_312 = vector.extract %reduce_sum3A_311[0, 0, 0] : f32 from vector<1x1x1xf32>
      %lt3A_313 = arith.constant 5.000000e-01 : f32
      %lt3A_314 = arith.cmpf olt, %reduce_sum3A_312, %lt3A_313 : f32
      %jit3A_315 = arith.constant 1.000000e+00 : f32
      %jit3A_316 = arith.constant 0.000000e+00 : f32
      %select_n3A_317 = arith.select %lt3A_314, %jit3A_315, %jit3A_316 : f32
      %get3A_318 = arith.index_cast %scan3A_302 : i32 to index
      %get3A_319 = arith.constant 0 : index
      %get3A_320 = vector.load %arg5[%get3A_318, %get3A_319] : memref<1000x1000xf32, #tpu.memory_space<vmem>>, vector<1x1000xf32>
      %gt3A_321 = arith.constant 0.699999988 : f32
      %gt3A_322 = vector.broadcast %gt3A_321 : f32 to vector<1x1000xf32>
      %gt3A_323 = arith.cmpf ogt, %get3A_320, %gt3A_322 : vector<1x1000xf32>
      %gt3A_324 = vector.broadcast %scan3A_302 : i32 to vector<1x1000xi32>
      %gt3A_325 = arith.cmpi sgt, %iota3A, %gt3A_324 : vector<1x1000xi32>
      %and3A_326 = arith.andi %gt3A_323, %gt3A_325 : vector<1x1000xi1>
      %jit3A_327 = arith.constant 0.000000e+00 : f32
      %broadcast_in_dim3A_328 = vector.broadcast %select_n3A_317 : f32 to vector<1x1000xf32>
      %broadcast_in_dim3A_329 = vector.broadcast %jit3A_327 : f32 to vector<1x1000xf32>
      %select_n3A_330 = arith.select %and3A_326, %broadcast_in_dim3A_328, %broadcast_in_dim3A_329 : vector<1x1000xi1>, vector<1x1000xf32>
      %max3A_331 = arith.maximumf %max3A_300, %select_n3A_330 : vector<1x1000xf32>
      %scan3A_332 = arith.constant 7 : i32
      %scan3A_333 = arith.addi %scan3A_116, %scan3A_332 : i32
      %eq3A_334 = vector.broadcast %scan3A_333 : i32 to vector<1x1000xi32>
      %eq3A_335 = arith.cmpi eq, %iota3A, %eq3A_334 : vector<1x1000xi32>
      %jit3A_336 = arith.constant 0.000000e+00 : f32
      %broadcast_in_dim3A_337 = vector.broadcast %jit3A_336 : f32 to vector<1x1000xf32>
      %select_n3A_338 = arith.select %eq3A_335, %max3A_331, %broadcast_in_dim3A_337 : vector<1x1000xi1>, vector<1x1000xf32>
      %reduce_sum3A_339 = vector.shape_cast %select_n3A_338 : vector<1x1000xf32> to vector<1x1x1000xf32>
      %reduce_sum3A_340 = arith.constant dense<0.000000e+00> : vector<1xf32>
      %reduce_sum3A_341 = vector.multi_reduction <add>, %reduce_sum3A_339, %reduce_sum3A_340 [1, 2] : vector<1x1x1000xf32> to vector<1xf32>
      %reduce_sum3A_342 = vector.shape_cast %reduce_sum3A_341 : vector<1xf32> to vector<1x1x1xf32>
      %reduce_sum3A_343 = vector.extract %reduce_sum3A_342[0, 0, 0] : f32 from vector<1x1x1xf32>
      %lt3A_344 = arith.constant 5.000000e-01 : f32
      %lt3A_345 = arith.cmpf olt, %reduce_sum3A_343, %lt3A_344 : f32
      %jit3A_346 = arith.constant 1.000000e+00 : f32
      %jit3A_347 = arith.constant 0.000000e+00 : f32
      %select_n3A_348 = arith.select %lt3A_345, %jit3A_346, %jit3A_347 : f32
      %get3A_349 = arith.index_cast %scan3A_333 : i32 to index
      %get3A_350 = arith.constant 0 : index
      %get3A_351 = vector.load %arg5[%get3A_349, %get3A_350] : memref<1000x1000xf32, #tpu.memory_space<vmem>>, vector<1x1000xf32>
      %gt3A_352 = arith.constant 0.699999988 : f32
      %gt3A_353 = vector.broadcast %gt3A_352 : f32 to vector<1x1000xf32>
      %gt3A_354 = arith.cmpf ogt, %get3A_351, %gt3A_353 : vector<1x1000xf32>
      %gt3A_355 = vector.broadcast %scan3A_333 : i32 to vector<1x1000xi32>
      %gt3A_356 = arith.cmpi sgt, %iota3A, %gt3A_355 : vector<1x1000xi32>
      %and3A_357 = arith.andi %gt3A_354, %gt3A_356 : vector<1x1000xi1>
      %jit3A_358 = arith.constant 0.000000e+00 : f32
      %broadcast_in_dim3A_359 = vector.broadcast %select_n3A_348 : f32 to vector<1x1000xf32>
      %broadcast_in_dim3A_360 = vector.broadcast %jit3A_358 : f32 to vector<1x1000xf32>
      %select_n3A_361 = arith.select %and3A_357, %broadcast_in_dim3A_359, %broadcast_in_dim3A_360 : vector<1x1000xi1>, vector<1x1000xf32>
      %max3A_362 = arith.maximumf %max3A_331, %select_n3A_361 : vector<1x1000xf32>
      scf.yield %max3A_362 : vector<1x1000xf32>
    }
    %scan3A_75 = arith.constant 1000 : i32
    %lt3A = arith.constant 5.000000e-01 : f32
    %lt3A_76 = vector.broadcast %lt3A : f32 to vector<1x1000xf32>
    %lt3A_77 = arith.cmpf olt, %scan3A_74, %lt3A_76 : vector<1x1000xf32>
    %jit3A = arith.constant 1.000000e+00 : f32
    %jit3A_78 = arith.constant 0.000000e+00 : f32
    %broadcast_in_dim3A_79 = vector.broadcast %jit3A : f32 to vector<1x1000xf32>
    %broadcast_in_dim3A_80 = vector.broadcast %jit3A_78 : f32 to vector<1x1000xf32>
    %select_n3A = arith.select %lt3A_77, %broadcast_in_dim3A_79, %broadcast_in_dim3A_80 : vector<1x1000xi1>, vector<1x1000xf32>
    %iota3A_81 = tpu.iota {dimensions = array<i32: 0>} : vector<1000x1000xi32>
    %iota3A_82 = tpu.iota {dimensions = array<i32: 1>} : vector<1000x1000xi32>
    %le3A = arith.cmpi sle, %iota3A_81, %iota3A_82 : vector<1000x1000xi32>
    %jit3A_83 = arith.constant 1.000000e+00 : f32
    %jit3A_84 = arith.constant 0.000000e+00 : f32
    %broadcast_in_dim3A_85 = vector.broadcast %jit3A_83 : f32 to vector<1000x1000xf32>
    %broadcast_in_dim3A_86 = vector.broadcast %jit3A_84 : f32 to vector<1000x1000xf32>
    %select_n3A_87 = arith.select %le3A, %broadcast_in_dim3A_85, %broadcast_in_dim3A_86 : vector<1000x1000xi1>, vector<1000x1000xf32>
    %dot_general3A = arith.constant dense<0.000000e+00> : vector<1x1000xf32>
    %dot_general3A_88 = tpu.matmul %select_n3A, %select_n3A_87, %dot_general3A {dimension_numbers = #tpu.dot_dimension_numbers<[1], [0], [0], [1], [0, 0, 1, 1], [], []>, transpose_lhs_hint = false} : vector<1x1000xf32>, vector<1000x1000xf32>, vector<1x1000xf32> -> vector<1x1000xf32>
    %sub3A_89 = arith.constant 1.000000e+00 : f32
    %sub3A_90 = vector.broadcast %sub3A_89 : f32 to vector<1x1000xf32>
    %sub3A_91 = arith.subf %dot_general3A_88, %sub3A_90 : vector<1x1000xf32>
    %iota3A_92 = tpu.iota {dimensions = array<i32: 0>} : vector<1000x1xi32>
    %convert_element_type3A = arith.sitofp %iota3A_92 : vector<1000x1xi32> to vector<1000x1xf32>
    %eq3A = vector.broadcast %sub3A_91 : vector<1x1000xf32> to vector<1000x1000xf32>
    %eq3A_93 = vector.broadcast %convert_element_type3A : vector<1000x1xf32> to vector<1000x1000xf32>
    %eq3A_94 = arith.cmpf oeq, %eq3A, %eq3A_93 : vector<1000x1000xf32>
    %gt3A = arith.constant 5.000000e-01 : f32
    %gt3A_95 = vector.broadcast %gt3A : f32 to vector<1x1000xf32>
    %gt3A_96 = arith.cmpf ogt, %select_n3A, %gt3A_95 : vector<1x1000xf32>
    %and3A = vector.broadcast %gt3A_96 : vector<1x1000xi1> to vector<1000x1000xi1>
    %and3A_97 = arith.andi %eq3A_94, %and3A : vector<1000x1000xi1>
    %jit3A_98 = arith.constant 1.000000e+00 : f32
    %jit3A_99 = arith.constant 0.000000e+00 : f32
    %broadcast_in_dim3A_100 = vector.broadcast %jit3A_98 : f32 to vector<1000x1000xf32>
    %broadcast_in_dim3A_101 = vector.broadcast %jit3A_99 : f32 to vector<1000x1000xf32>
    %select_n3A_102 = arith.select %and3A_97, %broadcast_in_dim3A_100, %broadcast_in_dim3A_101 : vector<1000x1000xi1>, vector<1000x1000xf32>
    %get3A_103 = arith.constant 0 : index
    %get3A_104 = arith.constant 0 : index
    %get3A_105 = arith.constant 0 : index
    %get3A_106 = vector.load %arg3[%get3A_103, %get3A_104, %get3A_105] : memref<1x1000x1xf32, #tpu.memory_space<vmem>>, vector<1x1000x1xf32>
    %get3A_107 = vector.shape_cast %get3A_106 : vector<1x1000x1xf32> to vector<1000x1xf32>
    %concatenate3A = tpu.concatenate %get3A_23, %get3A_28, %get3A_33, %get3A_38, %get3A_107 in 1 : vector<1000x1xf32>, vector<1000x1xf32>, vector<1000x1xf32>, vector<1000x1xf32>, vector<1000x1xf32> -> vector<1000x5xf32>
    %dot_general3A_108 = arith.constant dense<0.000000e+00> : vector<1000x5xf32>
    %dot_general3A_109 = tpu.matmul %select_n3A_102, %concatenate3A, %dot_general3A_108 {dimension_numbers = #tpu.dot_dimension_numbers<[1], [0], [0], [1], [0, 0, 1, 1], [], []>, transpose_lhs_hint = false} : vector<1000x1000xf32>, vector<1000x5xf32>, vector<1000x5xf32> -> vector<1000x5xf32>
    %swap3A_110 = arith.constant 0 : index
    %swap3A_111 = arith.constant 0 : index
    %swap3A_112 = arith.constant 0 : index
    %swap3A_113 = vector.load %arg4[%swap3A_110, %swap3A_111, %swap3A_112] : memref<1x1000x5xf32, #tpu.memory_space<vmem>>, vector<1x1000x5xf32>
    %swap3A_114 = vector.shape_cast %swap3A_113 : vector<1x1000x5xf32> to vector<1000x5xf32>
    %swap3A_115 = vector.shape_cast %dot_general3A_109 : vector<1000x5xf32> to vector<1x1000x5xf32>
    tpu.vector_store %arg4[%swap3A_110, %swap3A_111, %swap3A_112], %swap3A_115 {strides = array<i32>} : memref<1x1000x5xf32, #tpu.memory_space<vmem>>, vector<1x1000x5xf32>,
    return
  }
  func.func @transform_0(%arg0: i32) -> (i32, i32, i32) {
    %c0_i32 = arith.constant 0 : i32
    %c0_i32_0 = arith.constant 0 : i32
    %c0_i32_1 = arith.constant 0 : i32
    return %arg0, %c0_i32, %c0_i32_0 : i32, i32, i32
  }
  func.func @transform_1(%arg0: i32) -> (i32, i32, i32) {
    %c0_i32 = arith.constant 0 : i32
    %c0_i32_0 = arith.constant 0 : i32
    %c0_i32_1 = arith.constant 0 : i32
    return %arg0, %c0_i32, %c0_i32_0 : i32, i32, i32
  }
  func.func @transform_2(%arg0: i32) -> (i32, i32, i32) {
    %c0_i32 = arith.constant 0 : i32
    %c0_i32_0 = arith.constant 0 : i32
    %c0_i32_1 = arith.constant 0 : i32
    return %arg0, %c0_i32, %c0_i32_0 : i32, i32, i32
  }
  func.func @transform_3(%arg0: i32) -> (i32, i32, i32) {
    %c0_i32 = arith.constant 0 : i32
    %c0_i32_0 = arith.constant 0 : i32
    %c0_i32_1 = arith.constant 0 : i32
    return %arg0, %c0_i32, %c0_i32_0 : i32, i32, i32
  }
}

</mosaic_0001>

<sc_bundles>
// kernel: gather_offload_async_start
scs
__scs_entry_jumppad:
0x0: {  	(pc) =	sbr.rel $0x88, $3  }
0x1: {  	(tag) =	ssettag $0x0;
	lr =	simm.s32 $0x1  }
0x2: {  	[smem:$0x3F9E] =	sst lr;
	_ =	strace $0xD0000000  }
0x3: {  	_ = 	snop  }
0x4: {  	_ = 	snop  }
0x5: {  	_ = 	snop  }
0x6: {  	_ = 	snop  }
0x7: {  	_ = 	snop  }
__scs_overlays_trampoline_lowered:
0x8: {  	[smem:$0x3FAD] =	sst s0  }
0x9: {  	[smem:$0x3FAE] =	sst s1  }
0xa: {  	[smem:$0x3FAF] =	sst s2  }
0xb: {  	[smem:$0x3FB0] =	sst s3  }
0xc: {  	[smem:$0x3FB1] =	sst s4  }
0xd: {  	[smem:$0x3FB2] =	sst s5  }
0xe: {  	[smem:$0x3FB3] =	sst s6  }
0xf: {  	[smem:$0x3FB4] =	sst s7  }
0x10: {  	[smem:$0x3FB5] =	sst s8  }
0x11: {  	[smem:$0x3FB6] =	sst s9;
	s0 =	simm.s32 @!p0 $0x0  }
0x12: {  	s1 =	sld [smem:$0x3F9C];
	s0 =	simm.s32 @p0 $0x1  }
0x13: {  	[smem:$0x3FB7] =	sst s0;
	s0 =	simm.s32 @!p1 $0x0  }
0x14: {  	s2 =	sld [smem:$0x3F9B];
	s0 =	simm.s32 @p1 $0x1  }
0x15: {  	[smem:$0x3FB8] =	sst s0;
	s0 =	simm.s32 @!p2 $0x0  }
0x16: {  	s3 =	sld [smem:$0x3FDB];
	s0 =	simm.s32 @p2 $0x1  }
0x17: {  	s4 =	simm.s32 $0x1BF5;
	[smem:$0x3FBA] =	sst s0  }
0x18: {  	s0 =	sld [smem:$0x3F9D];
	_ =	swait.ge [sflag:s4], $0x0  }
0x19: {  	s7 =	sld [smem:$0x3F9E]  }
0x1a: {  	s8 =	sadd.s32 $0xFFFFE003, lr  }
0x1b: {  	s9 =	sadd.s32 $0xFFFFFEF7, lr;
	s5 =	simm.s32 $0xFFFFFFFF;
	p2 =	slt.u32 s8, $0xFFFFF086  }
0x1c: {  	p1 =	slt.u32 s9, $0xF7A;
	s5 =	simm.s32 @!p2 $0x0  }
0x1d: {  	s5 =	simm.s32 @p1 $0x1;
	p0 =	seq.s32 s7, s2  }
0x1e: {  	s7 =	smul.u32 @!p0 $0xF7A, s2;
	p2 =	seq.s32 @!p0 s5, $0x0  }
0x1f: {  	s9 =	smul.u32 $0xF7A, s1;
	s8 =	simm.s32 @!p0 $0x1BF5;
	p2 =	por !p2, p0  }
0x20: {  	[sflag:s8] =	ssyncset.s32 @!p0 $0xFFFFF086;
	s6 =	sadd.s32 @!p0 s3, s7;
	s7 =	simm.s32 @!p0 $0x108  }
0x21: {  	s3 =	sadd.s32 s3, s9;
	s6 =	sadd.s32 @!p0 $0x88, s6;
	s7 =	simm.s32 @p2 $0x1082  }
0x22: {  	[simem:s7], [sflag:s8] =	dma.local @!p0 [hbm:s6], $0xF7A  }
0x23: {  	s9 =	sor.u32 $0xD0000000, s2;
	s6 =	simm.s32 $0x108;
	_ =	swait.ge @!p0 [sflag:s8], $0x0  }
0x24: {  	s3 =	sadd.s32 $0x88, s3;
	s6 =	simm.s32 @!p1 $0x1082;
	[sflag:s4] =	ssyncset.s32 $0xFFFFF086  }
0x25: {  	[simem:s6], [sflag:s4] =	dma.local [hbm:s3], $0xF7A  }
0x26: {  	[smem:$0x3F9E] =	sst s1;
	(tag) =	ssettag s2;
	_ =	strace s9  }
0x27: {  	s1 =	sld [smem:$0x3FAE]  }
0x28: {  	s2 =	sld [smem:$0x3FAF]  }
0x29: {  	s4 =	sld [smem:$0x3FB1]  }
0x2a: {  	p0 =	seq.s32 s5, $0x0;
	s5 =	sld [smem:$0x3FB2]  }
0x2b: {  	s6 =	sld [smem:$0x3FB3]  }
0x2c: {  	s7 =	sld [smem:$0x3FB4]  }
0x2d: {  	s3 =	simm.s32 $0x108;
	s8 =	sld [smem:$0x3FB5]  }
0x2e: {  	s3 =	simm.s32 @!p0 $0x1082;
	s9 =	sld [smem:$0x3FB6]  }
0x2f: {  	lr =	sadd.s32 s0, s3;
	s0 =	sld [smem:$0x3FAD]  }
0x30: {  	s3 =	sld [smem:$0x3FB0]  }
0x31: {  	[smem:$0x3FB9] =	sst s10  }
0x32: {  	s10 =	sld [smem:$0x3FB7];
	_ =	sdelay $0x3  }
0x33: {  	p0 =	seq.s32 s10, $0x1;
	s10 =	sld [smem:$0x3FB9];
	_ =	sdelay $0x3  }
0x34: {  	[smem:$0x3FB9] =	sst s10  }
0x35: {  	s10 =	sld [smem:$0x3FB8];
	_ =	sdelay $0x3  }
0x36: {  	p1 =	seq.s32 s10, $0x1;
	s10 =	sld [smem:$0x3FB9];
	_ =	sdelay $0x3  }
0x37: {  	[smem:$0x3FB9] =	sst s10  }
0x38: {  	s10 =	sld [smem:$0x3FBA]  }
0x39: {  	_ = 	snop;
	(pc) =	sbr.ind lr, $3  }
0x3a: {  	_ = 	snop  }
0x3b: {  	_ = 	snop  }
0x3c: {  	p2 =	seq.s32 s10, $0x1;
	s10 =	sld [smem:$0x3FB9]  }
0x3d: {  	_ =	shalt  }
0x3e: {  	_ =	shalt  }
0x3f: {  	_ =	shalt  }
0x40: {  	_ =	shalt  }
0x41: {  	_ =	shalt  }
0x42: {  	_ =	shalt  }
0x43: {  	_ =	shalt  }
0x44: {  	_ =	shalt  }
0x45: {  	_ =	shalt  }
0x46: {  	_ =	shalt  }
0x47: {  	_ =	shalt  }
0x48: {  	_ =	shalt  }
0x49: {  	_ =	shalt  }
0x4a: {  	_ =	shalt  }
0x4b: {  	_ =	shalt  }
0x4c: {  	_ =	shalt  }
0x4d: {  	_ =	shalt  }
0x4e: {  	_ =	shalt  }
0x4f: {  	_ =	shalt  }
0x50: {  	_ =	shalt  }
0x51: {  	_ =	shalt  }
0x52: {  	_ =	shalt  }
0x53: {  	_ =	shalt  }
0x54: {  	_ =	shalt  }
0x55: {  	_ =	shalt  }
0x56: {  	_ =	shalt  }
0x57: {  	_ =	shalt  }
0x58: {  	_ =	shalt  }
0x59: {  	_ =	shalt  }
0x5a: {  	_ =	shalt  }
0x5b: {  	_ =	shalt  }
0x5c: {  	_ =	shalt  }
0x5d: {  	_ =	shalt  }
0x5e: {  	_ =	shalt  }
0x5f: {  	_ =	shalt  }
0x60: {  	_ =	shalt  }
0x61: {  	_ =	shalt  }
0x62: {  	_ =	shalt  }
0x63: {  	_ =	shalt  }
0x64: {  	_ =	shalt  }
0x65: {  	_ =	shalt  }
0x66: {  	_ =	shalt  }
0x67: {  	_ =	shalt  }
0x68: {  	_ =	shalt  }
0x69: {  	_ =	shalt  }
0x6a: {  	_ =	shalt  }
0x6b: {  	_ =	shalt  }
0x6c: {  	_ =	shalt  }
0x6d: {  	_ =	shalt  }
0x6e: {  	_ =	shalt  }
0x6f: {  	_ =	shalt  }
0x70: {  	_ =	shalt  }
0x71: {  	_ =	shalt  }
0x72: {  	_ =	shalt  }
0x73: {  	_ =	shalt  }
0x74: {  	_ =	shalt  }
0x75: {  	_ =	shalt  }
0x76: {  	_ =	shalt  }
0x77: {  	_ =	shalt  }
0x78: {  	_ =	shalt  }
0x79: {  	_ =	shalt  }
0x7a: {  	_ =	shalt  }
0x7b: {  	_ =	shalt  }
0x7c: {  	_ =	shalt  }
0x7d: {  	_ =	shalt  }
0x7e: {  	_ =	shalt  }
0x7f: {  	_ =	shalt  }
0x80: {  	_ =	shalt  }
0x81: {  	_ =	shalt  }
0x82: {  	_ =	shalt  }
0x83: {  	_ =	shalt  }
0x84: {  	_ =	shalt  }
0x85: {  	_ =	shalt  }
0x86: {  	_ =	shalt  }
0x87: {  	_ =	shalt  }
.Lfunc_end0:
.L_simem_size_0:
called_computation_lowered:
.L_overlay_start_0:
0x88: {  	s0 =	sld [smem:$0x3FD9]  }
0x89: {  	s1 =	sld [smem:$0x3FFE];
	_ =	sdelay $0x3  }
0x8a: {  	s0 =	sadd.s32 s1, s0  }
0x8b: {  	[smem:$0x3FC5] =	sst s0  }
0x8c: {  	_ = 	snop  }
0x8d: {  	s0 =	sld [smem:$0x3FD0];
	(tm) =	ssettm $0x1  }
0x8e: {  	s16 =	sld [smem:$0x3FFB];
	_ =	sdelay $0x3  }
0x8f: {  	_ =	strace s16  }
0x90: {  	s1 =	sld [smem:$0x3FFC];
	_ =	sdelay $0x3  }
0x91: {  	_ =	strace s1  }
0x92: {  	s1 =	sld [smem:$0x3FFD];
	_ =	sdelay $0x3  }
0x93: {  	_ =	strace s1  }
0x94: {  	_ =	strace $0x8FFFFFFF  }
0x95: {  	s17 =	sld [smem:$0x3FDB];
	_ =	sdelay $0x1  }
0x96: {  	s2 =	simm.s32 $_scs_section_size  }
0x97: {  	s3 =	simm.s32 $_size__tile_overlayer_lowered;
	s4 =	simm.s32 $_tile_overlayer_lowered  }
0x98: {  	s20 =	simm.s32 $0x1BFF;
	s19 =	sshll.u32 s4, $0x1;
	s1 =	sadd.s32 s2, s17  }
0x99: {  	s5 =	simm.s32 $0x0;
	s18 =	sshll.u32 s3, $0x1;
	s3 =	sadd.s32 s19, s1  }
0x9a: {  	[timem:s5], [sflag:s20] =	dma.local [hbm:s3], s18  }
0x9b: {  	_ =	swait.ge [sflag:s20], s18  }
0x9c: {  	s2 =	ssub.s32 $0x0, s18;
	[sflag:s20] =	ssyncset.done $0x0  }
0x9d: {  	[sflag:s20] =	ssyncadd.s32 s2;
	_ =	sdelay $0x1  }
0x9e: {  	s21 =	simm.s32 $0x1B8B  }
0x9f: {  	_ =	swait.ge [sflag:s21], $0x1  }
0xa0: {  	[sflag:s21] =	ssyncset.done $0x0  }
0xa1: {  	s23 =	simm.s32 $0x1B8E;
	s22 =	sld [smem:$0x3FFE];
	[sflag:s21] =	ssyncadd.s32 $0xFFFFFFFF  }
0xa2: {  	s24 =	simm.s32 $execute0_lowered;
	[smem:$0x3FD2] =	sst s23  }
0xa3: {  	s3 =	sshll.u32 s24, $0x1;
	_ =	strace $0x80000046;
	[dreg:$0x1] =	wrdreg $0xFFFFFFFF  }
0xa4: {  	s25 =	simm.s32 $_size_execute0_lowered;
	s1 =	sadd.s32 s1, s3;
	[dreg:$0x0] =	wrdreg $0x0  }
0xa5: {  	s3 =	sshll.u32 s25, $0x1;
	[dreg:$0x2] =	wrdreg s1  }
0xa6: {  	[dreg:$0x3] =	wrdreg s3  }
0xa7: {  	[dreg:$0x4] =	wrdreg $0xC0  }
0xa8: {  	_ =	task [dreg:s5], $0x5FFFF  }
0xa9: {  	[dreg:$0x1] =	wrdreg $0xFFFFFFFF  }
0xaa: {  	[dreg:$0x0] =	wrdreg $0x60  }
0xab: {  	[dreg:$0x2] =	wrdreg s22  }
0xac: {  	[dreg:$0x3] =	wrdreg s0  }
0xad: {  	[dreg:$0x4] =	wrdreg $0x9  }
0xae: {  	_ =	task.clear_ibuf [dreg:s5], $0x5FFFF;
	_ =	strace $0x90000046  }
0xaf: {  	s26 =	simm.s32 $0x9;
	_ =	strace $0x80000048  }
0xb0: {  	_ =	swait.ge [sflag:s26], $0x1  }
0xb1: {  	[sflag:s26] =	ssyncadd.s32 $0xFFFFFFFF  }
0xb2: {  	_ =	strace $0x90000048  }
0xb3: {  	_ =	sfence  }
0xb4: {  	s28 =	sld [smem:$0x0];
	_ =	sdelay $0x1  }
0xb5: {  	s29 =	srdreg.scid  }
0xb6: {  	s30 =	sshll.u32 s29, $0xD;
	s31 =	sshrl.u32 s29, $0x2  }
0xb7: {  	s2 =	sand.u32 $0x4000, s30;
	s1 =	sand.u32 $0x1, s29;
	s0 =	sadd.s32 s31, s28  }
0xb8: {  	s1 =	sor.u32 s2, s1;
	s0 =	sshll.u32 s0, $0x11  }
0xb9: {  	s0 =	sor.u32 s0, s1  }
0xba: {  	s0 =	sadd.s32 $0x8F2B, s0  }
0xbb: {  	[sflag:s0] =	ssyncadd.remote.s32 $0x1  }
0xbc: {  	_ =	sfence.sel $0xFFFF  }
0xbd: {  	[dreg:$0x0] =	wrdreg $0xFFFFFFFF;
	(pc) =	sbr.abs _section_cstart, $3  }
0xbe: {  	[dreg:$0x1] =	wrdreg $0xFFFFFFFF  }
0xbf: {  	_ =	task.clear_ibuf [dreg:s5], $0x2FFFF;
	_ =	strace $0x9FFFFFFF  }
0xc0: {  	(tm) =	ssettm $0x7FFFFFFF  }
0xc1: {  	_ =	shalt  }
tec
execute0_lowered:
.L_overlay_start_1:
0x0: {  	(tag) =	ssettag $0x1  }
0x1: {  	s0 =	stileid.u32  }
0x2: {  	s1 =	smin.u32 s0, $0x9  }
0x3: {  	s1 =	sadd.s32 s0, s1  }
0x4: {  	s2 =	simm.s32 $0xA0;
	p0 =	slt.u32 s0, $0x9;
	s1 =	smul.u32 $0x50, s1  }
0x5: {  	s2 =	simm.s32 @!p0 $0x50  }
0x6: {  	s2 =	sadd.s32 s2, s1  }
0x7: {  	s3 =	smin.u32 s2, $0x7D0  }
0x8: {  	s7 =	ssub.s32 s3, s1  }
0x9: {  	p0 =	sgt.s32 s7, $0x0  }
0xa: {  	s7 =	simm.s32 @!p0 $0x0  }
0xb: {  	s4 =	rddreg [dreg:$0x0];
	s31 =	smul.u32 $0xCCCD, s7  }
0xc: {  	s5 =	rddreg [dreg:$0x1]  }
0xd: {  	s6 =	simm.s32 $0x1;
	s10 =	simm.s32 $0x3;
	s8 =	sshrl.u32 s31, $0x16  }
0xe: {  	s13 =	simm.s32 $0x0;
	s12 =	simm.s32 $0x0;
	s9 =	smul.u32 $0x50, s8  }
.Ltmp0:
0xf: {  	s11 =	smov.u32 s1;
	s2 =	rddreg [dreg:$0x2];
	(pc) =	sbr.rel .LBB2_1-.Ltmp0, $4  }
0x10: {  	_ =	strace $0x80000047;
	p0 =	sne.s32 s7, s9;
	s9 =	simm.s32 $0x1  }
0x11: {  	[sflag:s6] =	ssyncpa.u1 $0x0;
	s7 =	simm.s32 $0x2;
	s9 =	simm.s32 @!p0 $0x0  }
0x12: {  	[sflag:s7] =	ssyncpa.u1 $0x0;
	p0 =	por $0x0, $0x0;
	s8 =	sadd.s32 s8, s9  }
0x13: {  	v0 =	vimm.s32 $0x0;
	vm0 =	vmmov $0xff;
	vm1 =	vcmask $0x3F20;
	s9 =	sadd.s32 $0x9C400, s4;
	[sflag:s10] =	ssyncpa.u1 $0x0;
	s10 =	sadd.s32 $0x1, s8  }
.LBB2_6:
0x14: {  	[hbm:s17] =	stream.linear.scatter [tilespmem:s14], [sflag:$0x3], $0x400, $0x38;
	[tilespmem:$0x50A0] =	vst v63  }
.LBB2_7:
0x15: {  	s13 =	sadd.s32 $0x50, s11  }
0x16: {  	s15 =	smov.u32 s1;
	p2 =	slt.s32 s13, s3  }
0x17: {  	s15 =	smov.u32 @p2 s13;
	p2 =	sne.s32 s12, s10  }
.Ltmp1:
0x18: {  	p1 =	slt.u32 s12, $0x2;
	(pc) =	sbr.rel @!p2 .LBB2_8-.Ltmp1, $4  }
0x19: {  	s14 =	simm.s32 @!p1 $0x3  }
0x1a: {  	s16 =	sadd.s32 $0x1, s12;
	_ =	swait.ge @!p1 [sflag:s14], $0x2800  }
0x1b: {  	p0 =	por !p0, !p0;
	s13 =	smov.u32 s11;
	[sflag:s14] =	ssyncset.done @!p1 $0x0  }
0x1c: {  	s12 =	smov.u32 s16;
	s11 =	smov.u32 s15;
	[sflag:s14] =	ssyncadd.s32 @!p1 $0xFFFFD800  }
.LBB2_1:
0x1d: {  	p1 =	sge.u32 s12, s8  }
0x1e: {  	s14 =	sxor.u32 @!p1 $0xFFFFFFFF, s12  }
0x1f: {  	s14 =	sand.u32 @!p1 $0x1, s14  }
0x20: {  	s14 =	smul.u32 @!p1 $0x140, s14  }
0x21: {  	s31 =	sadd.s32 $0xFFFFFFFF, s12;
	s15 =	sshrl.u32 @!p1 s11, $0x3  }
0x22: {  	s16 =	sand.u32 @!p1 $0x7, s11;
	s15 =	sadd.s32 @!p1 s5, s15;
	s14 =	sshrl.u32 @!p1 s14, $0x2  }
0x23: {  	[tilespmem:s14], [sflag:$0x2] =	stream.linear.gather @!p1 [hbm4b:s15+s16], $0x50, $0x38;
	[tilespmem:$0x50A0] =	vst v63  }
0x24: {  	p1 =	sge.u32 s31, s8  }
.Ltmp2:
0x25: {  	_ = 	snop;
	(pc) =	sbr.rel @p1 .LBB2_7-.Ltmp2, $1  }
0x26: {  	_ =	sdelay $0x3  }
0x27: {  	s14 =	simm.s32 $0x1  }
0x28: {  	s14 =	simm.s32 @!p0 $0x0  }
0x29: {  	s15 =	smul.u32 $0x140, s14  }
0x2a: {  	_ =	swait.ge [sflag:s7], $0x50  }
0x2b: {  	[sflag:s7] =	ssyncset.done $0x0;
	s16 =	sshrl.u32 s15, $0x2  }
0x2c: {  	[sflag:s7] =	ssyncadd.s32 $0xFFFFFFB0;
	s15 =	sadd.s32 $0x0, s16  }
0x2d: {  	v1 =	vld.msk [tilespmem:s15+$0x0 ss:$0x1], $0xffff;
	_ =	sdelay $0x4  }
0x2e: {  	v2 =	vand.u32 $0x1, v1;
	v3 =	vshll.u32 v1, $0x6  }
0x2f: {  	vm2 =	veq.s32 v1, $0x80000000;
	vm3 =	veq.s32 v2, $0x1;
	v1 =	vand.u32 $0x3FFF80, v3  }
0x30: {  	v2 =	vsel vm3, $0x271000, v0;
	v1 =	vsel vm2, $0xFFFFFF80, v1  }
0x31: {  	v2 =	vsel vm2, $0xFFD8F000, v2;
	v3 =	vand.u32 $0xFFFFFC00, v1  }
0x32: {  	v1 =	vand.u32 $0x380, v1;
	v2 =	vadd.s32 v2, v3  }
0x33: {  	v1 =	vor.u32 v1, v2  }
0x34: {  	v1 =	vshrl.u32 v1, $0x3  }
0x35: {  	s14 =	smul.u32 $0xA000, s14;
	_ =	sdelay $0x1  }
0x36: {  	s14 =	sshrl.u32 s14, $0x2  }
0x37: {  	s14 =	sor.u32 $0xA0, s14  }
0x38: {  	[tilespmem:s14], [sflag:$0x1] =	stream.indirect_vreg.gather [hbm:s4], $0x80, v1, vm0, $0x38;
	[tilespmem:$0x50A0] =	vst v63  }
0x39: {  	s17 =	sadd.s32 $0x10, s16;
	s15 =	sadd.s32 $0x400, s14  }
0x3a: {  	[tilespmem:s15], [sflag:$0x1] =	stream.indirect_vreg.gather [hbm:s4], $0x80, v1, vm1, $0x38;
	[tilespmem:$0x50A0] =	vst v63  }
0x3b: {  	s18 =	simm.s32 $0x80;
	v1 =	vld.msk [tilespmem:s17+$0x0 ss:$0x1], $0xffff;
	s17 =	smov.u32 s14  }
.LBB2_3:
0x3c: {  	p1 =	sne.s32 s18, $0x100;
	_ =	sdelay $0x4  }
0x3d: {  	v2 =	vand.u32 $0x1, v1;
	v3 =	vshll.u32 v1, $0x6  }
0x3e: {  	vm2 =	veq.s32 v1, $0x80000000;
	vm3 =	veq.s32 v2, $0x1;
	v1 =	vand.u32 $0x3FFF80, v3  }
0x3f: {  	v2 =	vsel vm3, $0x271000, v0;
	v1 =	vsel vm2, $0xFFFFFF80, v1  }
0x40: {  	v2 =	vsel vm2, $0xFFD8F000, v2;
	v3 =	vand.u32 $0xFFFFFC00, v1  }
0x41: {  	v1 =	vand.u32 $0x380, v1;
	v2 =	vadd.s32 v2, v3  }
0x42: {  	v1 =	vor.u32 v1, v2  }
0x43: {  	v1 =	vshrl.u32 v1, $0x3;
	_ =	sdelay $0x3  }
.Ltmp3:
0x44: {  	s19 =	sshra.s32 s18, $0x2;
	s17 =	sadd.s32 $0x800, s17;
	(pc) =	sbr.rel @p1 .LBB2_3-.Ltmp3, $4  }
0x45: {  	[tilespmem:s17], [sflag:$0x1] =	stream.indirect_vreg.gather [hbm:s4], $0x80, v1, vm0, $0x38;
	[tilespmem:$0x50A0] =	vst v63  }
0x46: {  	s19 =	sadd.s32 s19, s16;
	s20 =	sadd.s32 $0x400, s17  }
0x47: {  	[tilespmem:s20], [sflag:$0x1] =	stream.indirect_vreg.gather [hbm:s4], $0x80, v1, vm1, $0x38;
	[tilespmem:$0x50A0] =	vst v63  }
0x48: {  	s18 =	sadd.s32 $0x40, s18;
	v1 =	vld.msk [tilespmem:s19+$0x0 ss:$0x1], $0xffff  }
0x49: {  	_ =	sdelay $0x3  }
0x4a: {  	v2 =	vand.u32 $0x1, v1;
	v3 =	vshll.u32 v1, $0x6  }
0x4b: {  	vm2 =	veq.s32 v1, $0x80000000;
	vm3 =	veq.s32 v2, $0x1;
	v1 =	vand.u32 $0x3FFF80, v3  }
0x4c: {  	v2 =	vsel vm3, $0x271000, v0;
	v1 =	vsel vm2, $0xFFFFFF80, v1  }
0x4d: {  	v2 =	vsel vm2, $0xFFD8F000, v2;
	v3 =	vand.u32 $0xFFFFFC00, v1  }
0x4e: {  	v1 =	vand.u32 $0x380, v1;
	v2 =	vadd.s32 v2, v3  }
0x4f: {  	v1 =	vor.u32 v1, v2  }
0x50: {  	v1 =	vshrl.u32 v1, $0x3;
	_ =	sdelay $0x3  }
0x51: {  	s16 =	sadd.s32 $0x800, s17  }
0x52: {  	[tilespmem:s16], [sflag:$0x1] =	stream.indirect_vreg.gather [hbm:s4], $0x80, v1, vm0, $0x38;
	[tilespmem:$0x50A0] =	vst v63  }
0x53: {  	s16 =	sadd.s32 $0x400, s16  }
0x54: {  	[tilespmem:s16], [sflag:$0x1] =	stream.indirect_vreg.gather [hbm:s4], $0x80, v1, vm1, $0x38;
	[tilespmem:$0x50A0] =	vst v63  }
0x55: {  	s13 =	sshll.u32 s13, $0x4;
	_ =	swait.ge [sflag:s6], $0x2800  }
0x56: {  	s13 =	sadd.s32 s13, s9;
	[sflag:s6] =	ssyncset.done $0x0  }
0x57: {  	s17 =	sadd.s32 $0x0, s13;
	s16 =	simm.s32 $0x80;
	[sflag:s6] =	ssyncadd.s32 $0xFFFFD800  }
.LBB2_5:
0x58: {  	[hbm:s17] =	stream.linear.scatter [tilespmem:s14], [sflag:$0x3], $0x400, $0x38;
	[tilespmem:$0x50A0] =	vst v63  }
0x59: {  	s17 =	smov.u32 s16;
	s14 =	smov.u32 s15;
	p1 =	sne.s32 s16, $0x480  }
.Ltmp4:
0x5a: {  	s16 =	sadd.s32 $0x80, s16;
	(pc) =	sbr.rel @p1 .LBB2_5-.Ltmp4, $2  }
0x5b: {  	_ =	sdelay $0x2  }
0x5c: {  	s15 =	sadd.s32 $0x400, s15;
	s17 =	sadd.s32 s17, s13  }
.Ltmp5:
0x5d: {  	_ = 	snop;
	(pc) =	sbr.rel .LBB2_6-.Ltmp5, $1  }
0x5e: {  	_ =	sdelay $0x3  }
.LBB2_8:
0x5f: {  	_ =	sfence.sel $0x180000  }
0x60: {  	s1 =	simm.s32 $0x2;
	[bflag:$0x0] =	sbarrier.arrive $0xFFFF  }
0x61: {  	s30 =	simm.s32 $0x3;
	[sflag:s1] =	ssyncpa.u1 $0x1  }
0x62: {  	s31 =	simm.s32 $0x1;
	[sflag:s30] =	ssyncpa.u1 $0x1  }
0x63: {  	[sflag:s31] =	ssyncpa.u1 $0x1  }
0x64: {  	p0 =	sne.s32 s0, $0x0;
	_ =	strace $0x90000047  }
0x65: {  	s0 =	sadd.s32 @!p0 $0x100000, s2;
	[bflag:$0x2] =	sbarrier.arrive $0xFFFF  }
0x66: {  	[sflag:s0] =	ssyncadd.tile.s32 @!p0 $0x1;
	_ =	shalt  }
.Lfunc_end2:
_tile_overlayer_lowered:
.L_overlay_start_2:
0x67: {  	(tag) =	ssettag $0x2  }
0x68: {  	s0 =	rddreg [dreg:$0x0];
	s2 =	stileid.u32  }
0x69: {  	s1 =	rddreg [dreg:$0x1];
	p0 =	sne.s32 s2, $0x0  }
0x6a: {  	s3 =	rddreg [dreg:$0x2];
	[bflag:$0x3] =	sbarrier.arrive $0xFFFF;
	s2 =	simm.s32 @!p0 $0x1C01  }
0x6b: {  	[timem:s3], [sflag:s2] =	dma.local @!p0 [hbm:s0], s1  }
0x6c: {  	s0 =	simm.s32 @!p0 $0x1  }
0x6d: {  	_ =	swait.ge @!p0 [sflag:s0], s1  }
0x6e: {  	s1 =	ssub.s32 @!p0 $0x0, s1;
	[sflag:s0] =	ssyncset.done @!p0 $0x0  }
0x6f: {  	[sflag:s0] =	ssyncadd.s32 @!p0 s1  }
0x70: {  	[bflag:$0x3] =	sbarrier.arrive $0xFFFF  }
0x71: {  	_ =	shalt  }

</sc_bundles>
